<compile_context>
chip_gen: v7x
topology: tpu7x:2x2x1
jax: 0.10.2.dev20260603
libtpu: 0.0.44.dev20260713+nightly
codegen_flags: <defaults>
</compile_context>

<pallas_src>
import functools

import jax
import jax.numpy as jnp
from jax import lax
from jax.experimental import pallas as pl
from jax.experimental.pallas import tpu as pltpu
from jax.experimental.pallas import tpu_sc as plsc

D_MODEL = 1024
D_FF = 4096
N_EXP = 8
TOPK = 2
BLK = 1024
NBLK = D_FF // BLK


def _router_body(token_ref, wr_ref, br_ref, dens_ref, u_ref, idx_ref, val_ref):
    x = token_ref[...]
    logits = jnp.dot(x, wr_ref[...], preferred_element_type=jnp.float32)
    logits = logits + br_ref[...]
    m = jnp.max(logits)
    e = jnp.exp(logits - m)
    sm = e / jnp.sum(e)
    col8 = jax.lax.broadcasted_iota(jnp.int32, (1, N_EXP), 1)
    v0 = jnp.max(sm)
    first_max = jnp.min(jnp.where(sm == v0, col8, N_EXP))
    v1 = jnp.max(jnp.where(col8 == first_max, -jnp.inf, sm))
    val_ref[0] = v0
    val_ref[1] = v1
    flat = dens_ref[...]
    n = N_EXP * N_EXP
    r = jax.lax.broadcasted_iota(jnp.int32, (n, n), 0)
    c = jax.lax.broadcasted_iota(jnp.int32, (n, n), 1)
    tri = (r <= c).astype(jnp.float32)
    cum = jnp.dot(flat, tri, preferred_element_type=jnp.float32)
    col64 = jax.lax.broadcasted_iota(jnp.int32, (1, n), 1)
    c_last = jnp.sum(jnp.where(col64 == n - 1, cum, 0.0))
    u = u_ref[0, 0] * c_last
    idx = jnp.sum((cum < u).astype(jnp.int32))
    i0 = idx // N_EXP
    idx_ref[0] = i0
    idx_ref[1] = idx - N_EXP * i0


def _route(tok2, Wr, br2, dflat, u):
    return pl.pallas_call(
        _router_body,
        out_shape=[
            jax.ShapeDtypeStruct((TOPK,), jnp.int32),
            jax.ShapeDtypeStruct((TOPK,), jnp.float32),
        ],
        in_specs=[
            pl.BlockSpec(memory_space=pltpu.VMEM),
            pl.BlockSpec(memory_space=pltpu.VMEM),
            pl.BlockSpec(memory_space=pltpu.VMEM),
            pl.BlockSpec(memory_space=pltpu.VMEM),
            pl.BlockSpec(memory_space=pltpu.SMEM),
        ],
        out_specs=[
            pl.BlockSpec(memory_space=pltpu.SMEM),
            pl.BlockSpec(memory_space=pltpu.SMEM),
        ],
    )(tok2, Wr, br2, dflat, u)


def _shuffle(x, perm):
    return x.at[perm].get(mode="promise_in_bounds")


def _allreduce(x, op):
    iota = lax.iota(jnp.int32, 16)
    for off in (8, 4, 2, 1):
        x = op(x, _shuffle(x, jnp.bitwise_xor(iota, off)))
    return x


def _sc_router_body(tok_hbm, wrt_hbm, br_hbm, dens_hbm, u_hbm,
                    idx_hbm, val_hbm,
                    tok_v, wrt_v, br_v, dens_v, u_v, idx_v, val_v):
    wid = lax.axis_index("s") * 2 + lax.axis_index("c")

    @pl.when(wid == 0)
    def _():
        pltpu.sync_copy(tok_hbm, tok_v)
        pltpu.sync_copy(wrt_hbm, wrt_v)
        pltpu.sync_copy(br_hbm, br_v)
        pltpu.sync_copy(dens_hbm, dens_v)
        pltpu.sync_copy(u_hbm, u_v)

        iota = lax.iota(jnp.int32, 16)
        neg = jnp.full((16,), -1e30, jnp.float32)

        def body(c, accs):
            t = tok_v[pl.ds(c * 16, 16)]
            return tuple(
                accs[e] + t * wrt_v[pl.ds(c * 16 + e * D_MODEL, 16)]
                for e in range(N_EXP))

        accs = lax.fori_loop(
            0, D_MODEL // 16, body,
            tuple(jnp.zeros((16,), jnp.float32) for _ in range(N_EXP)))
        logits = br_v[...]
        for e in range(N_EXP):
            s = _allreduce(accs[e], jnp.add)
            logits = jnp.where(iota == e, logits + s, logits)

        lm = jnp.where(iota < N_EXP, logits, neg)
        m = _allreduce(lm, jnp.maximum)
        ex = jnp.where(iota < N_EXP, jnp.exp(lm - m), jnp.zeros((16,), jnp.float32))
        sm = ex / _allreduce(ex, jnp.add)
        v0 = _allreduce(sm, jnp.maximum)
        first = _allreduce(jnp.where(sm == v0, iota, jnp.full((16,), 16, jnp.int32)),
                           jnp.minimum)
        v1 = _allreduce(jnp.where(iota == first, neg, sm), jnp.maximum)

        vals = []
        for c in range((N_EXP * N_EXP) // 16):
            ch = dens_v[pl.ds(c * 16, 16)]
            for j in range(16):
                vals.append(ch[j])
        total = jnp.float32(0.0)
        for v in vals:
            total = total + v
        u = u_v[...][0] * total
        c_run = jnp.float32(0.0)
        cnt = jnp.int32(0)
        for v in vals:
            c_run = c_run + v
            cnt = cnt + jnp.where(c_run < u, 1, 0)
        i0 = cnt // N_EXP
        i1 = cnt - N_EXP * i0

        idx_v[...] = jnp.where(iota == 0, i0, i1)
        val_v[...] = jnp.where(iota == 0, v0, v1)
        pltpu.sync_copy(idx_v, idx_hbm)
        pltpu.sync_copy(val_v, val_hbm)


def _sc_route(tokv, wrt, brv, densv, uv):
    mesh = plsc.VectorSubcoreMesh(core_axis_name="c", subcore_axis_name="s")
    k = functools.partial(
        pl.kernel,
        mesh=mesh,
        out_type=[
            jax.ShapeDtypeStruct((16,), jnp.int32),
            jax.ShapeDtypeStruct((16,), jnp.float32),
        ],
        scratch_types=[
            pltpu.VMEM((D_MODEL,), jnp.float32),
            pltpu.VMEM((N_EXP * D_MODEL,), jnp.float32),
            pltpu.VMEM((16,), jnp.float32),
            pltpu.VMEM((N_EXP * N_EXP,), jnp.float32),
            pltpu.VMEM((16,), jnp.float32),
            pltpu.VMEM((16,), jnp.int32),
            pltpu.VMEM((16,), jnp.float32),
        ],
    )(_sc_router_body)
    return k(tokv, wrt, brv, densv, uv)


def _ffn_body(idx_ref, val_ref, token_ref, w1a_ref, w1b_ref, b1_ref,
              w2a_ref, w2b_ref, b2_ref, out_ref):
    e = pl.program_id(0)
    j = pl.program_id(1)

    @pl.when((e == 0) & (j == 0))
    def _():
        out_ref[...] = jnp.zeros_like(out_ref)

    x = token_ref[...]
    half = D_MODEL // 2
    h = (jnp.dot(x[:, :half], w1a_ref[0], preferred_element_type=jnp.float32)
         + jnp.dot(x[:, half:], w1b_ref[0], preferred_element_type=jnp.float32))
    h = jnp.maximum(h + b1_ref[0], 0.0)
    hb = BLK // 2
    part = (jnp.dot(h[:, :hb], w2a_ref[0], preferred_element_type=jnp.float32)
            + jnp.dot(h[:, hb:], w2b_ref[0], preferred_element_type=jnp.float32))
    s = val_ref[e]
    out_ref[...] += s * part

    @pl.when(j == 0)
    def _():
        out_ref[...] += s * b2_ref[0]


def _ffn(idx, vals, tok2, W1, b1, W2, b2):
    grid_spec = pltpu.PrefetchScalarGridSpec(
        num_scalar_prefetch=2,
        grid=(TOPK, NBLK),
        in_specs=[
            pl.BlockSpec((1, D_MODEL), lambda e, j, idx, vals: (0, 0)),
            pl.BlockSpec((1, D_MODEL // 2, BLK),
                         lambda e, j, idx, vals: (idx[e], 0, j)),
            pl.BlockSpec((1, D_MODEL // 2, BLK),
                         lambda e, j, idx, vals: (idx[e], 1, j)),
            pl.BlockSpec((1, 1, BLK), lambda e, j, idx, vals: (idx[e], 0, j)),
            pl.BlockSpec((1, BLK // 2, D_MODEL),
                         lambda e, j, idx, vals: (idx[e], 2 * j, 0)),
            pl.BlockSpec((1, BLK // 2, D_MODEL),
                         lambda e, j, idx, vals: (idx[e], 2 * j + 1, 0)),
            pl.BlockSpec((1, 1, D_MODEL), lambda e, j, idx, vals: (idx[e], 0, 0)),
        ],
        out_specs=pl.BlockSpec((1, D_MODEL), lambda e, j, idx, vals: (0, 0)),
    )
    return pl.pallas_call(
        _ffn_body,
        grid_spec=grid_spec,
        out_shape=jax.ShapeDtypeStruct((1, D_MODEL), jnp.float32),
        compiler_params=pltpu.CompilerParams(
            dimension_semantics=("arbitrary", "arbitrary"),
        ),
    )(idx, vals, tok2, W1, W1, b1.reshape(N_EXP, 1, D_FF), W2, W2,
      b2.reshape(N_EXP, 1, D_MODEL))


def kernel(token, Wr, br, W1, b1, W2, b2, density):
    u = jax.random.uniform(jax.random.key(7), dtype=jnp.float32)
    wrt = Wr.T.reshape(N_EXP * D_MODEL)
    brv = jnp.pad(br, (0, 16 - N_EXP))
    densv = density.reshape(N_EXP * N_EXP)
    uv = jnp.full((16,), u, dtype=jnp.float32)
    idx16, val16 = _sc_route(token, wrt, brv, densv, uv)
    idx = idx16[:TOPK]
    vals = val16[:TOPK]
    tok2 = token.reshape(1, D_MODEL)
    out = _ffn(idx, vals, tok2, W1, b1, W2, b2)
    return out.reshape(D_MODEL)

# --- scband reference (transcript-rebuilt; emitter-appended) ---
"""Pipeline reference for scband-mo-elayer-70076686402244 (READ-ONLY COPY).

The authoritative reference and input builder live on the scoring server;
editing this copy changes nothing except your own understanding.
"""

import jax, jax.numpy as jnp
import numpy as np

D_MODEL = 1024
D_FF = 4096
N_EXPERTS = 8
TOP_K = 2


def setup_inputs(seed: int = 0) -> dict:
    key = jax.random.key(seed)
    ks = jax.random.split(key, 8)
    token = jax.random.normal(ks[0], (D_MODEL,), dtype=jnp.float32)
    # router linear: d_model -> num_experts
    Wr = jax.random.normal(ks[1], (D_MODEL, N_EXPERTS), dtype=jnp.float32) * 0.02
    br = jnp.zeros((N_EXPERTS,), dtype=jnp.float32)
    # stacked expert weights
    W1 = jax.random.normal(ks[2], (N_EXPERTS, D_MODEL, D_FF), dtype=jnp.float32) * 0.02
    b1 = jnp.zeros((N_EXPERTS, D_FF), dtype=jnp.float32)
    W2 = jax.random.normal(ks[3], (N_EXPERTS, D_FF, D_MODEL), dtype=jnp.float32) * 0.02
    b2 = jnp.zeros((N_EXPERTS, D_MODEL), dtype=jnp.float32)
    # _uniform_density for k=2: symmetric matrix, zero diagonal, normalized
    p = jax.random.uniform(ks[4], (N_EXPERTS, N_EXPERTS), dtype=jnp.float32)
    p = jnp.triu(p, 1)
    p = p + p.T
    density = p / p.sum()
    return {"token": token, "Wr": Wr, "br": br, "W1": W1, "b1": b1, "W2": W2, "b2": b2, "density": density}


def _expert(i, x, W1, b1, W2, b2):
    h = jax.nn.relu(x @ W1[i] + b1[i])
    return h @ W2[i] + b2[i]


def reference(token, Wr, br, W1, b1, W2, b2, density):
    E = density.shape[0]
    router_logits = token @ Wr + br            # [E]
    sm = jax.nn.softmax(router_logits, axis=0)  # softmax over dim 0 (experts)
    values, _ = jax.lax.top_k(sm, TOP_K)        # [k] scales
    # _sample(density, E, k=2): multinomial over flattened density.
    # Replaced with deterministic inverse-CDF sampling using a fixed key.
    flat = density.reshape(-1)
    c = jnp.cumsum(flat)
    u = jax.random.uniform(jax.random.key(7), dtype=jnp.float32) * c[-1]
    idx = jnp.searchsorted(c, u)
    i0 = idx // E
    i1 = idx % E
    out = values[0] * _expert(i0, token, W1, b1, W2, b2)
    out = out + values[1] * _expert(i1, token, W1, b1, W2, b2)
    return out

if __name__ == "__main__":
    import jax
    _d = setup_inputs()
    print(jax.jit(kernel)(*tuple(_d.values())))

</pallas_src>

<mosaic_0001>
#map = affine_map<(d0, d1) -> (0)>
module attributes {stable_mosaic.version = 14 : i64} {
  func.func @_sc_router_body(%arg0: i32, %arg1: i32, %arg2: memref<1024xf32, #tpu.memory_space<hbm>>, %arg3: memref<8192xf32, #tpu.memory_space<hbm>>, %arg4: memref<16xf32, #tpu.memory_space<hbm>>, %arg5: memref<64xf32, #tpu.memory_space<hbm>>, %arg6: memref<16xf32, #tpu.memory_space<hbm>>, %arg7: memref<16xi32, #tpu.memory_space<hbm>>, %arg8: memref<16xf32, #tpu.memory_space<hbm>>, %arg9: memref<1024xf32, #tpu.memory_space<vmem>>, %arg10: memref<8192xf32, #tpu.memory_space<vmem>>, %arg11: memref<16xf32, #tpu.memory_space<vmem>>, %arg12: memref<64xf32, #tpu.memory_space<vmem>>, %arg13: memref<16xf32, #tpu.memory_space<vmem>>, %arg14: memref<16xi32, #tpu.memory_space<vmem>>, %arg15: memref<16xf32, #tpu.memory_space<vmem>>) attributes {dimension_semantics = [#tpu.dimension_semantics<core_parallel>, #tpu.dimension_semantics<subcore_parallel>], iteration_bounds = array<i64: 2, 16>, scalar_prefetch = 0 : i64, scratch_operands = 7 : i64, tpu.core_type = #tpu.core_type<sc_vector_subcore>, window_params = [{transform_indices = #map}, {transform_indices = #map}, {transform_indices = #map}, {transform_indices = #map}, {transform_indices = #map}, {transform_indices = #map}, {transform_indices = #map}]} {
    %mul3A = arith.constant 2 : i32
    %mul3A_0 = arith.muli %arg1, %mul3A : i32
    %add3A = arith.addi %mul3A_0, %arg0 : i32
    %eq3A = arith.constant 0 : i32
    %eq3A_1 = arith.cmpi eq, %add3A, %eq3A : i32
    %convert_element_type3A = arith.extui %eq3A_1 : i1 to i32
    %cond3A = arith.constant 0 : i32
    %cond3A_2 = arith.cmpi ne, %convert_element_type3A, %cond3A : i32
    scf.if %cond3A_2 {
      "tpu.region"() ({
        %run_scoped3A = tpu.sem_alloc : memref<!tpu.dma_semaphore, #tpu.memory_space<semaphore_mem>>
        tpu.enqueue_dma source(%arg2 : memref<1024xf32, #tpu.memory_space<hbm>>) target(%arg9 : memref<1024xf32, #tpu.memory_space<vmem>>) target_semaphore(%run_scoped3A : memref<!tpu.dma_semaphore, #tpu.memory_space<semaphore_mem>>)
        tpu.wait_dma2 semaphore(%run_scoped3A : memref<!tpu.dma_semaphore, #tpu.memory_space<semaphore_mem>>) src(%arg2 : memref<1024xf32, #tpu.memory_space<hbm>>) dst(%arg9 : memref<1024xf32, #tpu.memory_space<vmem>>)
        tpu.yield
      }) : () -> ()
      "tpu.region"() ({
        %run_scoped3A = tpu.sem_alloc : memref<!tpu.dma_semaphore, #tpu.memory_space<semaphore_mem>>
        tpu.enqueue_dma source(%arg3 : memref<8192xf32, #tpu.memory_space<hbm>>) target(%arg10 : memref<8192xf32, #tpu.memory_space<vmem>>) target_semaphore(%run_scoped3A : memref<!tpu.dma_semaphore, #tpu.memory_space<semaphore_mem>>)
        tpu.wait_dma2 semaphore(%run_scoped3A : memref<!tpu.dma_semaphore, #tpu.memory_space<semaphore_mem>>) src(%arg3 : memref<8192xf32, #tpu.memory_space<hbm>>) dst(%arg10 : memref<8192xf32, #tpu.memory_space<vmem>>)
        tpu.yield
      }) : () -> ()
      "tpu.region"() ({
        %run_scoped3A = tpu.sem_alloc : memref<!tpu.dma_semaphore, #tpu.memory_space<semaphore_mem>>
        tpu.enqueue_dma source(%arg4 : memref<16xf32, #tpu.memory_space<hbm>>) target(%arg11 : memref<16xf32, #tpu.memory_space<vmem>>) target_semaphore(%run_scoped3A : memref<!tpu.dma_semaphore, #tpu.memory_space<semaphore_mem>>)
        tpu.wait_dma2 semaphore(%run_scoped3A : memref<!tpu.dma_semaphore, #tpu.memory_space<semaphore_mem>>) src(%arg4 : memref<16xf32, #tpu.memory_space<hbm>>) dst(%arg11 : memref<16xf32, #tpu.memory_space<vmem>>)
        tpu.yield
      }) : () -> ()
      "tpu.region"() ({
        %run_scoped3A = tpu.sem_alloc : memref<!tpu.dma_semaphore, #tpu.memory_space<semaphore_mem>>
        tpu.enqueue_dma source(%arg5 : memref<64xf32, #tpu.memory_space<hbm>>) target(%arg12 : memref<64xf32, #tpu.memory_space<vmem>>) target_semaphore(%run_scoped3A : memref<!tpu.dma_semaphore, #tpu.memory_space<semaphore_mem>>)
        tpu.wait_dma2 semaphore(%run_scoped3A : memref<!tpu.dma_semaphore, #tpu.memory_space<semaphore_mem>>) src(%arg5 : memref<64xf32, #tpu.memory_space<hbm>>) dst(%arg12 : memref<64xf32, #tpu.memory_space<vmem>>)
        tpu.yield
      }) : () -> ()
      "tpu.region"() ({
        %run_scoped3A = tpu.sem_alloc : memref<!tpu.dma_semaphore, #tpu.memory_space<semaphore_mem>>
        tpu.enqueue_dma source(%arg6 : memref<16xf32, #tpu.memory_space<hbm>>) target(%arg13 : memref<16xf32, #tpu.memory_space<vmem>>) target_semaphore(%run_scoped3A : memref<!tpu.dma_semaphore, #tpu.memory_space<semaphore_mem>>)
        tpu.wait_dma2 semaphore(%run_scoped3A : memref<!tpu.dma_semaphore, #tpu.memory_space<semaphore_mem>>) src(%arg6 : memref<16xf32, #tpu.memory_space<hbm>>) dst(%arg13 : memref<16xf32, #tpu.memory_space<vmem>>)
        tpu.yield
      }) : () -> ()
      %iota3A = tpu.iota {dimensions = array<i32: 0>} : vector<16xi32>
      %broadcast_in_dim3A = arith.constant -1.000000e+30 : f32
      %broadcast_in_dim3A_3 = vector.broadcast %broadcast_in_dim3A : f32 to vector<16xf32>
      %broadcast_in_dim3A_4 = arith.constant 0.000000e+00 : f32
      %broadcast_in_dim3A_5 = vector.broadcast %broadcast_in_dim3A_4 : f32 to vector<16xf32>
      %broadcast_in_dim3A_6 = arith.constant 0.000000e+00 : f32
      %broadcast_in_dim3A_7 = vector.broadcast %broadcast_in_dim3A_6 : f32 to vector<16xf32>
      %broadcast_in_dim3A_8 = arith.constant 0.000000e+00 : f32
      %broadcast_in_dim3A_9 = vector.broadcast %broadcast_in_dim3A_8 : f32 to vector<16xf32>
      %broadcast_in_dim3A_10 = arith.constant 0.000000e+00 : f32
      %broadcast_in_dim3A_11 = vector.broadcast %broadcast_in_dim3A_10 : f32 to vector<16xf32>
      %broadcast_in_dim3A_12 = arith.constant 0.000000e+00 : f32
      %broadcast_in_dim3A_13 = vector.broadcast %broadcast_in_dim3A_12 : f32 to vector<16xf32>
      %broadcast_in_dim3A_14 = arith.constant 0.000000e+00 : f32
      %broadcast_in_dim3A_15 = vector.broadcast %broadcast_in_dim3A_14 : f32 to vector<16xf32>
      %broadcast_in_dim3A_16 = arith.constant 0.000000e+00 : f32
      %broadcast_in_dim3A_17 = vector.broadcast %broadcast_in_dim3A_16 : f32 to vector<16xf32>
      %broadcast_in_dim3A_18 = arith.constant 0.000000e+00 : f32
      %broadcast_in_dim3A_19 = vector.broadcast %broadcast_in_dim3A_18 : f32 to vector<16xf32>
      %scan3A = arith.constant 0 : i32
      %scan3A_20 = arith.constant 64 : i32
      %scan3A_21 = arith.addi %scan3A, %scan3A_20 : i32
      %scan3A_22 = arith.constant 1 : i32
      %scan3A_23:8 = scf.for %scan3A_1452 = %scan3A to %scan3A_21 step %scan3A_22 iter_args(%scan3A_1453 = %broadcast_in_dim3A_5, %scan3A_1454 = %broadcast_in_dim3A_7, %scan3A_1455 = %broadcast_in_dim3A_9, %scan3A_1456 = %broadcast_in_dim3A_11, %scan3A_1457 = %broadcast_in_dim3A_13, %scan3A_1458 = %broadcast_in_dim3A_15, %scan3A_1459 = %broadcast_in_dim3A_17, %scan3A_1460 = %broadcast_in_dim3A_19) -> (vector<16xf32>, vector<16xf32>, vector<16xf32>, vector<16xf32>, vector<16xf32>, vector<16xf32>, vector<16xf32>, vector<16xf32>)  : i32 {
        %mul3A_1461 = arith.constant 16 : i32
        %mul3A_1462 = arith.muli %scan3A_1452, %mul3A_1461 : i32
        %get3A_1463 = arith.index_cast %mul3A_1462 : i32 to index
        %get3A_1464 = tpu.vector_load %arg9[%get3A_1463] {strides = array<i32>} : memref<1024xf32, #tpu.memory_space<vmem>>, vector<16xf32>,
        %get3A_1465 = vector.shape_cast %get3A_1464 : vector<16xf32> to vector<16xf32>
        %mul3A_1466 = arith.constant 16 : i32
        %mul3A_1467 = arith.muli %scan3A_1452, %mul3A_1466 : i32
        %add3A_1468 = arith.constant 0 : i32
        %add3A_1469 = arith.addi %mul3A_1467, %add3A_1468 : i32
        %get3A_1470 = arith.index_cast %add3A_1469 : i32 to index
        %get3A_1471 = tpu.vector_load %arg10[%get3A_1470] {strides = array<i32>} : memref<8192xf32, #tpu.memory_space<vmem>>, vector<16xf32>,
        %get3A_1472 = vector.shape_cast %get3A_1471 : vector<16xf32> to vector<16xf32>
        %mul3A_1473 = arith.mulf %get3A_1465, %get3A_1472 : vector<16xf32>
        %add3A_1474 = arith.addf %scan3A_1453, %mul3A_1473 : vector<16xf32>
        %mul3A_1475 = arith.constant 16 : i32
        %mul3A_1476 = arith.muli %scan3A_1452, %mul3A_1475 : i32
        %add3A_1477 = arith.constant 1024 : i32
        %add3A_1478 = arith.addi %mul3A_1476, %add3A_1477 : i32
        %get3A_1479 = arith.index_cast %add3A_1478 : i32 to index
        %get3A_1480 = tpu.vector_load %arg10[%get3A_1479] {strides = array<i32>} : memref<8192xf32, #tpu.memory_space<vmem>>, vector<16xf32>,
        %get3A_1481 = vector.shape_cast %get3A_1480 : vector<16xf32> to vector<16xf32>
        %mul3A_1482 = arith.mulf %get3A_1465, %get3A_1481 : vector<16xf32>
        %add3A_1483 = arith.addf %scan3A_1454, %mul3A_1482 : vector<16xf32>
        %mul3A_1484 = arith.constant 16 : i32
        %mul3A_1485 = arith.muli %scan3A_1452, %mul3A_1484 : i32
        %add3A_1486 = arith.constant 2048 : i32
        %add3A_1487 = arith.addi %mul3A_1485, %add3A_1486 : i32
        %get3A_1488 = arith.index_cast %add3A_1487 : i32 to index
        %get3A_1489 = tpu.vector_load %arg10[%get3A_1488] {strides = array<i32>} : memref<8192xf32, #tpu.memory_space<vmem>>, vector<16xf32>,
        %get3A_1490 = vector.shape_cast %get3A_1489 : vector<16xf32> to vector<16xf32>
        %mul3A_1491 = arith.mulf %get3A_1465, %get3A_1490 : vector<16xf32>
        %add3A_1492 = arith.addf %scan3A_1455, %mul3A_1491 : vector<16xf32>
        %mul3A_1493 = arith.constant 16 : i32
        %mul3A_1494 = arith.muli %scan3A_1452, %mul3A_1493 : i32
        %add3A_1495 = arith.constant 3072 : i32
        %add3A_1496 = arith.addi %mul3A_1494, %add3A_1495 : i32
        %get3A_1497 = arith.index_cast %add3A_1496 : i32 to index
        %get3A_1498 = tpu.vector_load %arg10[%get3A_1497] {strides = array<i32>} : memref<8192xf32, #tpu.memory_space<vmem>>, vector<16xf32>,
        %get3A_1499 = vector.shape_cast %get3A_1498 : vector<16xf32> to vector<16xf32>
        %mul3A_1500 = arith.mulf %get3A_1465, %get3A_1499 : vector<16xf32>
        %add3A_1501 = arith.addf %scan3A_1456, %mul3A_1500 : vector<16xf32>
        %mul3A_1502 = arith.constant 16 : i32
        %mul3A_1503 = arith.muli %scan3A_1452, %mul3A_1502 : i32
        %add3A_1504 = arith.constant 4096 : i32
        %add3A_1505 = arith.addi %mul3A_1503, %add3A_1504 : i32
        %get3A_1506 = arith.index_cast %add3A_1505 : i32 to index
        %get3A_1507 = tpu.vector_load %arg10[%get3A_1506] {strides = array<i32>} : memref<8192xf32, #tpu.memory_space<vmem>>, vector<16xf32>,
        %get3A_1508 = vector.shape_cast %get3A_1507 : vector<16xf32> to vector<16xf32>
        %mul3A_1509 = arith.mulf %get3A_1465, %get3A_1508 : vector<16xf32>
        %add3A_1510 = arith.addf %scan3A_1457, %mul3A_1509 : vector<16xf32>
        %mul3A_1511 = arith.constant 16 : i32
        %mul3A_1512 = arith.muli %scan3A_1452, %mul3A_1511 : i32
        %add3A_1513 = arith.constant 5120 : i32
        %add3A_1514 = arith.addi %mul3A_1512, %add3A_1513 : i32
        %get3A_1515 = arith.index_cast %add3A_1514 : i32 to index
        %get3A_1516 = tpu.vector_load %arg10[%get3A_1515] {strides = array<i32>} : memref<8192xf32, #tpu.memory_space<vmem>>, vector<16xf32>,
        %get3A_1517 = vector.shape_cast %get3A_1516 : vector<16xf32> to vector<16xf32>
        %mul3A_1518 = arith.mulf %get3A_1465, %get3A_1517 : vector<16xf32>
        %add3A_1519 = arith.addf %scan3A_1458, %mul3A_1518 : vector<16xf32>
        %mul3A_1520 = arith.constant 16 : i32
        %mul3A_1521 = arith.muli %scan3A_1452, %mul3A_1520 : i32
        %add3A_1522 = arith.constant 6144 : i32
        %add3A_1523 = arith.addi %mul3A_1521, %add3A_1522 : i32
        %get3A_1524 = arith.index_cast %add3A_1523 : i32 to index
        %get3A_1525 = tpu.vector_load %arg10[%get3A_1524] {strides = array<i32>} : memref<8192xf32, #tpu.memory_space<vmem>>, vector<16xf32>,
        %get3A_1526 = vector.shape_cast %get3A_1525 : vector<16xf32> to vector<16xf32>
        %mul3A_1527 = arith.mulf %get3A_1465, %get3A_1526 : vector<16xf32>
        %add3A_1528 = arith.addf %scan3A_1459, %mul3A_1527 : vector<16xf32>
        %mul3A_1529 = arith.constant 16 : i32
        %mul3A_1530 = arith.muli %scan3A_1452, %mul3A_1529 : i32
        %add3A_1531 = arith.constant 7168 : i32
        %add3A_1532 = arith.addi %mul3A_1530, %add3A_1531 : i32
        %get3A_1533 = arith.index_cast %add3A_1532 : i32 to index
        %get3A_1534 = tpu.vector_load %arg10[%get3A_1533] {strides = array<i32>} : memref<8192xf32, #tpu.memory_space<vmem>>, vector<16xf32>,
        %get3A_1535 = vector.shape_cast %get3A_1534 : vector<16xf32> to vector<16xf32>
        %mul3A_1536 = arith.mulf %get3A_1465, %get3A_1535 : vector<16xf32>
        %add3A_1537 = arith.addf %scan3A_1460, %mul3A_1536 : vector<16xf32>
        scf.yield %add3A_1474, %add3A_1483, %add3A_1492, %add3A_1501, %add3A_1510, %add3A_1519, %add3A_1528, %add3A_1537 : vector<16xf32>, vector<16xf32>, vector<16xf32>, vector<16xf32>, vector<16xf32>, vector<16xf32>, vector<16xf32>, vector<16xf32>
      }
      %scan3A_24 = arith.constant 64 : i32
      %get3A = arith.constant 0 : index
      %get3A_25 = tpu.vector_load %arg11[%get3A] {strides = array<i32>} : memref<16xf32, #tpu.memory_space<vmem>>, vector<16xf32>,
      %get3A_26 = vector.shape_cast %get3A_25 : vector<16xf32> to vector<16xf32>
      %iota3A_27 = tpu.iota {dimensions = array<i32: 0>} : vector<16xi32>
      %xor3A = arith.constant 8 : i32
      %xor3A_28 = vector.broadcast %xor3A : i32 to vector<16xi32>
      %xor3A_29 = arith.xori %iota3A_27, %xor3A_28 : vector<16xi32>
      %lt3A = arith.constant 0 : i32
      %lt3A_30 = vector.broadcast %lt3A : i32 to vector<16xi32>
      %lt3A_31 = arith.cmpi slt, %xor3A_29, %lt3A_30 : vector<16xi32>
      %add3A_32 = arith.constant 16 : i32
      %add3A_33 = vector.broadcast %add3A_32 : i32 to vector<16xi32>
      %add3A_34 = arith.addi %xor3A_29, %add3A_33 : vector<16xi32>
      %select_n3A = arith.select %lt3A_31, %add3A_34, %xor3A_29 : vector<16xi1>, vector<16xi32>
      %broadcast_in_dim3A_35 = vector.shape_cast %select_n3A : vector<16xi32> to vector<16x1xi32>
      %gather3A = vector.shape_cast %broadcast_in_dim3A_35 : vector<16x1xi32> to vector<16xi32>
      %gather3A_36 = tpu.dynamic_gather %scan3A_23#0[%gather3A] in [0] : vector<16xf32>, vector<16xi32> -> vector<16xf32>
      %add3A_37 = arith.addf %scan3A_23#0, %gather3A_36 : vector<16xf32>
      %xor3A_38 = arith.constant 4 : i32
      %xor3A_39 = vector.broadcast %xor3A_38 : i32 to vector<16xi32>
      %xor3A_40 = arith.xori %iota3A_27, %xor3A_39 : vector<16xi32>
      %lt3A_41 = arith.constant 0 : i32
      %lt3A_42 = vector.broadcast %lt3A_41 : i32 to vector<16xi32>
      %lt3A_43 = arith.cmpi slt, %xor3A_40, %lt3A_42 : vector<16xi32>
      %add3A_44 = arith.constant 16 : i32
      %add3A_45 = vector.broadcast %add3A_44 : i32 to vector<16xi32>
      %add3A_46 = arith.addi %xor3A_40, %add3A_45 : vector<16xi32>
      %select_n3A_47 = arith.select %lt3A_43, %add3A_46, %xor3A_40 : vector<16xi1>, vector<16xi32>
      %broadcast_in_dim3A_48 = vector.shape_cast %select_n3A_47 : vector<16xi32> to vector<16x1xi32>
      %gather3A_49 = vector.shape_cast %broadcast_in_dim3A_48 : vector<16x1xi32> to vector<16xi32>
      %gather3A_50 = tpu.dynamic_gather %add3A_37[%gather3A_49] in [0] : vector<16xf32>, vector<16xi32> -> vector<16xf32>
      %add3A_51 = arith.addf %add3A_37, %gather3A_50 : vector<16xf32>
      %xor3A_52 = arith.constant 2 : i32
      %xor3A_53 = vector.broadcast %xor3A_52 : i32 to vector<16xi32>
      %xor3A_54 = arith.xori %iota3A_27, %xor3A_53 : vector<16xi32>
      %lt3A_55 = arith.constant 0 : i32
      %lt3A_56 = vector.broadcast %lt3A_55 : i32 to vector<16xi32>
      %lt3A_57 = arith.cmpi slt, %xor3A_54, %lt3A_56 : vector<16xi32>
      %add3A_58 = arith.constant 16 : i32
      %add3A_59 = vector.broadcast %add3A_58 : i32 to vector<16xi32>
      %add3A_60 = arith.addi %xor3A_54, %add3A_59 : vector<16xi32>
      %select_n3A_61 = arith.select %lt3A_57, %add3A_60, %xor3A_54 : vector<16xi1>, vector<16xi32>
      %broadcast_in_dim3A_62 = vector.shape_cast %select_n3A_61 : vector<16xi32> to vector<16x1xi32>
      %gather3A_63 = vector.shape_cast %broadcast_in_dim3A_62 : vector<16x1xi32> to vector<16xi32>
      %gather3A_64 = tpu.dynamic_gather %add3A_51[%gather3A_63] in [0] : vector<16xf32>, vector<16xi32> -> vector<16xf32>
      %add3A_65 = arith.addf %add3A_51, %gather3A_64 : vector<16xf32>
      %xor3A_66 = arith.constant 1 : i32
      %xor3A_67 = vector.broadcast %xor3A_66 : i32 to vector<16xi32>
      %xor3A_68 = arith.xori %iota3A_27, %xor3A_67 : vector<16xi32>
      %lt3A_69 = arith.constant 0 : i32
      %lt3A_70 = vector.broadcast %lt3A_69 : i32 to vector<16xi32>
      %lt3A_71 = arith.cmpi slt, %xor3A_68, %lt3A_70 : vector<16xi32>
      %add3A_72 = arith.constant 16 : i32
      %add3A_73 = vector.broadcast %add3A_72 : i32 to vector<16xi32>
      %add3A_74 = arith.addi %xor3A_68, %add3A_73 : vector<16xi32>
      %select_n3A_75 = arith.select %lt3A_71, %add3A_74, %xor3A_68 : vector<16xi1>, vector<16xi32>
      %broadcast_in_dim3A_76 = vector.shape_cast %select_n3A_75 : vector<16xi32> to vector<16x1xi32>
      %gather3A_77 = vector.shape_cast %broadcast_in_dim3A_76 : vector<16x1xi32> to vector<16xi32>
      %gather3A_78 = tpu.dynamic_gather %add3A_65[%gather3A_77] in [0] : vector<16xf32>, vector<16xi32> -> vector<16xf32>
      %add3A_79 = arith.addf %add3A_65, %gather3A_78 : vector<16xf32>
      %eq3A_80 = arith.constant 0 : i32
      %eq3A_81 = vector.broadcast %eq3A_80 : i32 to vector<16xi32>
      %eq3A_82 = arith.cmpi eq, %iota3A, %eq3A_81 : vector<16xi32>
      %add3A_83 = arith.addf %get3A_26, %add3A_79 : vector<16xf32>
      %select_n3A_84 = arith.select %eq3A_82, %add3A_83, %get3A_26 : vector<16xi1>, vector<16xf32>
      %iota3A_85 = tpu.iota {dimensions = array<i32: 0>} : vector<16xi32>
      %xor3A_86 = arith.constant 8 : i32
      %xor3A_87 = vector.broadcast %xor3A_86 : i32 to vector<16xi32>
      %xor3A_88 = arith.xori %iota3A_85, %xor3A_87 : vector<16xi32>
      %lt3A_89 = arith.constant 0 : i32
      %lt3A_90 = vector.broadcast %lt3A_89 : i32 to vector<16xi32>
      %lt3A_91 = arith.cmpi slt, %xor3A_88, %lt3A_90 : vector<16xi32>
      %add3A_92 = arith.constant 16 : i32
      %add3A_93 = vector.broadcast %add3A_92 : i32 to vector<16xi32>
      %add3A_94 = arith.addi %xor3A_88, %add3A_93 : vector<16xi32>
      %select_n3A_95 = arith.select %lt3A_91, %add3A_94, %xor3A_88 : vector<16xi1>, vector<16xi32>
      %broadcast_in_dim3A_96 = vector.shape_cast %select_n3A_95 : vector<16xi32> to vector<16x1xi32>
      %gather3A_97 = vector.shape_cast %broadcast_in_dim3A_96 : vector<16x1xi32> to vector<16xi32>
      %gather3A_98 = tpu.dynamic_gather %scan3A_23#1[%gather3A_97] in [0] : vector<16xf32>, vector<16xi32> -> vector<16xf32>
      %add3A_99 = arith.addf %scan3A_23#1, %gather3A_98 : vector<16xf32>
      %xor3A_100 = arith.constant 4 : i32
      %xor3A_101 = vector.broadcast %xor3A_100 : i32 to vector<16xi32>
      %xor3A_102 = arith.xori %iota3A_85, %xor3A_101 : vector<16xi32>
      %lt3A_103 = arith.constant 0 : i32
      %lt3A_104 = vector.broadcast %lt3A_103 : i32 to vector<16xi32>
      %lt3A_105 = arith.cmpi slt, %xor3A_102, %lt3A_104 : vector<16xi32>
      %add3A_106 = arith.constant 16 : i32
      %add3A_107 = vector.broadcast %add3A_106 : i32 to vector<16xi32>
      %add3A_108 = arith.addi %xor3A_102, %add3A_107 : vector<16xi32>
      %select_n3A_109 = arith.select %lt3A_105, %add3A_108, %xor3A_102 : vector<16xi1>, vector<16xi32>
      %broadcast_in_dim3A_110 = vector.shape_cast %select_n3A_109 : vector<16xi32> to vector<16x1xi32>
      %gather3A_111 = vector.shape_cast %broadcast_in_dim3A_110 : vector<16x1xi32> to vector<16xi32>
      %gather3A_112 = tpu.dynamic_gather %add3A_99[%gather3A_111] in [0] : vector<16xf32>, vector<16xi32> -> vector<16xf32>
      %add3A_113 = arith.addf %add3A_99, %gather3A_112 : vector<16xf32>
      %xor3A_114 = arith.constant 2 : i32
      %xor3A_115 = vector.broadcast %xor3A_114 : i32 to vector<16xi32>
      %xor3A_116 = arith.xori %iota3A_85, %xor3A_115 : vector<16xi32>
      %lt3A_117 = arith.constant 0 : i32
      %lt3A_118 = vector.broadcast %lt3A_117 : i32 to vector<16xi32>
      %lt3A_119 = arith.cmpi slt, %xor3A_116, %lt3A_118 : vector<16xi32>
      %add3A_120 = arith.constant 16 : i32
      %add3A_121 = vector.broadcast %add3A_120 : i32 to vector<16xi32>
      %add3A_122 = arith.addi %xor3A_116, %add3A_121 : vector<16xi32>
      %select_n3A_123 = arith.select %lt3A_119, %add3A_122, %xor3A_116 : vector<16xi1>, vector<16xi32>
      %broadcast_in_dim3A_124 = vector.shape_cast %select_n3A_123 : vector<16xi32> to vector<16x1xi32>
      %gather3A_125 = vector.shape_cast %broadcast_in_dim3A_124 : vector<16x1xi32> to vector<16xi32>
      %gather3A_126 = tpu.dynamic_gather %add3A_113[%gather3A_125] in [0] : vector<16xf32>, vector<16xi32> -> vector<16xf32>
      %add3A_127 = arith.addf %add3A_113, %gather3A_126 : vector<16xf32>
      %xor3A_128 = arith.constant 1 : i32
      %xor3A_129 = vector.broadcast %xor3A_128 : i32 to vector<16xi32>
      %xor3A_130 = arith.xori %iota3A_85, %xor3A_129 : vector<16xi32>
      %lt3A_131 = arith.constant 0 : i32
      %lt3A_132 = vector.broadcast %lt3A_131 : i32 to vector<16xi32>
      %lt3A_133 = arith.cmpi slt, %xor3A_130, %lt3A_132 : vector<16xi32>
      %add3A_134 = arith.constant 16 : i32
      %add3A_135 = vector.broadcast %add3A_134 : i32 to vector<16xi32>
      %add3A_136 = arith.addi %xor3A_130, %add3A_135 : vector<16xi32>
      %select_n3A_137 = arith.select %lt3A_133, %add3A_136, %xor3A_130 : vector<16xi1>, vector<16xi32>
      %broadcast_in_dim3A_138 = vector.shape_cast %select_n3A_137 : vector<16xi32> to vector<16x1xi32>
      %gather3A_139 = vector.shape_cast %broadcast_in_dim3A_138 : vector<16x1xi32> to vector<16xi32>
      %gather3A_140 = tpu.dynamic_gather %add3A_127[%gather3A_139] in [0] : vector<16xf32>, vector<16xi32> -> vector<16xf32>
      %add3A_141 = arith.addf %add3A_127, %gather3A_140 : vector<16xf32>
      %eq3A_142 = arith.constant 1 : i32
      %eq3A_143 = vector.broadcast %eq3A_142 : i32 to vector<16xi32>
      %eq3A_144 = arith.cmpi eq, %iota3A, %eq3A_143 : vector<16xi32>
      %add3A_145 = arith.addf %select_n3A_84, %add3A_141 : vector<16xf32>
      %select_n3A_146 = arith.select %eq3A_144, %add3A_145, %select_n3A_84 : vector<16xi1>, vector<16xf32>
      %iota3A_147 = tpu.iota {dimensions = array<i32: 0>} : vector<16xi32>
      %xor3A_148 = arith.constant 8 : i32
      %xor3A_149 = vector.broadcast %xor3A_148 : i32 to vector<16xi32>
      %xor3A_150 = arith.xori %iota3A_147, %xor3A_149 : vector<16xi32>
      %lt3A_151 = arith.constant 0 : i32
      %lt3A_152 = vector.broadcast %lt3A_151 : i32 to vector<16xi32>
      %lt3A_153 = arith.cmpi slt, %xor3A_150, %lt3A_152 : vector<16xi32>
      %add3A_154 = arith.constant 16 : i32
      %add3A_155 = vector.broadcast %add3A_154 : i32 to vector<16xi32>
      %add3A_156 = arith.addi %xor3A_150, %add3A_155 : vector<16xi32>
      %select_n3A_157 = arith.select %lt3A_153, %add3A_156, %xor3A_150 : vector<16xi1>, vector<16xi32>
      %broadcast_in_dim3A_158 = vector.shape_cast %select_n3A_157 : vector<16xi32> to vector<16x1xi32>
      %gather3A_159 = vector.shape_cast %broadcast_in_dim3A_158 : vector<16x1xi32> to vector<16xi32>
      %gather3A_160 = tpu.dynamic_gather %scan3A_23#2[%gather3A_159] in [0] : vector<16xf32>, vector<16xi32> -> vector<16xf32>
      %add3A_161 = arith.addf %scan3A_23#2, %gather3A_160 : vector<16xf32>
      %xor3A_162 = arith.constant 4 : i32
      %xor3A_163 = vector.broadcast %xor3A_162 : i32 to vector<16xi32>
      %xor3A_164 = arith.xori %iota3A_147, %xor3A_163 : vector<16xi32>
      %lt3A_165 = arith.constant 0 : i32
      %lt3A_166 = vector.broadcast %lt3A_165 : i32 to vector<16xi32>
      %lt3A_167 = arith.cmpi slt, %xor3A_164, %lt3A_166 : vector<16xi32>
      %add3A_168 = arith.constant 16 : i32
      %add3A_169 = vector.broadcast %add3A_168 : i32 to vector<16xi32>
      %add3A_170 = arith.addi %xor3A_164, %add3A_169 : vector<16xi32>
      %select_n3A_171 = arith.select %lt3A_167, %add3A_170, %xor3A_164 : vector<16xi1>, vector<16xi32>
      %broadcast_in_dim3A_172 = vector.shape_cast %select_n3A_171 : vector<16xi32> to vector<16x1xi32>
      %gather3A_173 = vector.shape_cast %broadcast_in_dim3A_172 : vector<16x1xi32> to vector<16xi32>
      %gather3A_174 = tpu.dynamic_gather %add3A_161[%gather3A_173] in [0] : vector<16xf32>, vector<16xi32> -> vector<16xf32>
      %add3A_175 = arith.addf %add3A_161, %gather3A_174 : vector<16xf32>
      %xor3A_176 = arith.constant 2 : i32
      %xor3A_177 = vector.broadcast %xor3A_176 : i32 to vector<16xi32>
      %xor3A_178 = arith.xori %iota3A_147, %xor3A_177 : vector<16xi32>
      %lt3A_179 = arith.constant 0 : i32
      %lt3A_180 = vector.broadcast %lt3A_179 : i32 to vector<16xi32>
      %lt3A_181 = arith.cmpi slt, %xor3A_178, %lt3A_180 : vector<16xi32>
      %add3A_182 = arith.constant 16 : i32
      %add3A_183 = vector.broadcast %add3A_182 : i32 to vector<16xi32>
      %add3A_184 = arith.addi %xor3A_178, %add3A_183 : vector<16xi32>
      %select_n3A_185 = arith.select %lt3A_181, %add3A_184, %xor3A_178 : vector<16xi1>, vector<16xi32>
      %broadcast_in_dim3A_186 = vector.shape_cast %select_n3A_185 : vector<16xi32> to vector<16x1xi32>
      %gather3A_187 = vector.shape_cast %broadcast_in_dim3A_186 : vector<16x1xi32> to vector<16xi32>
      %gather3A_188 = tpu.dynamic_gather %add3A_175[%gather3A_187] in [0] : vector<16xf32>, vector<16xi32> -> vector<16xf32>
      %add3A_189 = arith.addf %add3A_175, %gather3A_188 : vector<16xf32>
      %xor3A_190 = arith.constant 1 : i32
      %xor3A_191 = vector.broadcast %xor3A_190 : i32 to vector<16xi32>
      %xor3A_192 = arith.xori %iota3A_147, %xor3A_191 : vector<16xi32>
      %lt3A_193 = arith.constant 0 : i32
      %lt3A_194 = vector.broadcast %lt3A_193 : i32 to vector<16xi32>
      %lt3A_195 = arith.cmpi slt, %xor3A_192, %lt3A_194 : vector<16xi32>
      %add3A_196 = arith.constant 16 : i32
      %add3A_197 = vector.broadcast %add3A_196 : i32 to vector<16xi32>
      %add3A_198 = arith.addi %xor3A_192, %add3A_197 : vector<16xi32>
      %select_n3A_199 = arith.select %lt3A_195, %add3A_198, %xor3A_192 : vector<16xi1>, vector<16xi32>
      %broadcast_in_dim3A_200 = vector.shape_cast %select_n3A_199 : vector<16xi32> to vector<16x1xi32>
      %gather3A_201 = vector.shape_cast %broadcast_in_dim3A_200 : vector<16x1xi32> to vector<16xi32>
      %gather3A_202 = tpu.dynamic_gather %add3A_189[%gather3A_201] in [0] : vector<16xf32>, vector<16xi32> -> vector<16xf32>
      %add3A_203 = arith.addf %add3A_189, %gather3A_202 : vector<16xf32>
      %eq3A_204 = arith.constant 2 : i32
      %eq3A_205 = vector.broadcast %eq3A_204 : i32 to vector<16xi32>
      %eq3A_206 = arith.cmpi eq, %iota3A, %eq3A_205 : vector<16xi32>
      %add3A_207 = arith.addf %select_n3A_146, %add3A_203 : vector<16xf32>
      %select_n3A_208 = arith.select %eq3A_206, %add3A_207, %select_n3A_146 : vector<16xi1>, vector<16xf32>
      %iota3A_209 = tpu.iota {dimensions = array<i32: 0>} : vector<16xi32>
      %xor3A_210 = arith.constant 8 : i32
      %xor3A_211 = vector.broadcast %xor3A_210 : i32 to vector<16xi32>
      %xor3A_212 = arith.xori %iota3A_209, %xor3A_211 : vector<16xi32>
      %lt3A_213 = arith.constant 0 : i32
      %lt3A_214 = vector.broadcast %lt3A_213 : i32 to vector<16xi32>
      %lt3A_215 = arith.cmpi slt, %xor3A_212, %lt3A_214 : vector<16xi32>
      %add3A_216 = arith.constant 16 : i32
      %add3A_217 = vector.broadcast %add3A_216 : i32 to vector<16xi32>
      %add3A_218 = arith.addi %xor3A_212, %add3A_217 : vector<16xi32>
      %select_n3A_219 = arith.select %lt3A_215, %add3A_218, %xor3A_212 : vector<16xi1>, vector<16xi32>
      %broadcast_in_dim3A_220 = vector.shape_cast %select_n3A_219 : vector<16xi32> to vector<16x1xi32>
      %gather3A_221 = vector.shape_cast %broadcast_in_dim3A_220 : vector<16x1xi32> to vector<16xi32>
      %gather3A_222 = tpu.dynamic_gather %scan3A_23#3[%gather3A_221] in [0] : vector<16xf32>, vector<16xi32> -> vector<16xf32>
      %add3A_223 = arith.addf %scan3A_23#3, %gather3A_222 : vector<16xf32>
      %xor3A_224 = arith.constant 4 : i32
      %xor3A_225 = vector.broadcast %xor3A_224 : i32 to vector<16xi32>
      %xor3A_226 = arith.xori %iota3A_209, %xor3A_225 : vector<16xi32>
      %lt3A_227 = arith.constant 0 : i32
      %lt3A_228 = vector.broadcast %lt3A_227 : i32 to vector<16xi32>
      %lt3A_229 = arith.cmpi slt, %xor3A_226, %lt3A_228 : vector<16xi32>
      %add3A_230 = arith.constant 16 : i32
      %add3A_231 = vector.broadcast %add3A_230 : i32 to vector<16xi32>
      %add3A_232 = arith.addi %xor3A_226, %add3A_231 : vector<16xi32>
      %select_n3A_233 = arith.select %lt3A_229, %add3A_232, %xor3A_226 : vector<16xi1>, vector<16xi32>
      %broadcast_in_dim3A_234 = vector.shape_cast %select_n3A_233 : vector<16xi32> to vector<16x1xi32>
      %gather3A_235 = vector.shape_cast %broadcast_in_dim3A_234 : vector<16x1xi32> to vector<16xi32>
      %gather3A_236 = tpu.dynamic_gather %add3A_223[%gather3A_235] in [0] : vector<16xf32>, vector<16xi32> -> vector<16xf32>
      %add3A_237 = arith.addf %add3A_223, %gather3A_236 : vector<16xf32>
      %xor3A_238 = arith.constant 2 : i32
      %xor3A_239 = vector.broadcast %xor3A_238 : i32 to vector<16xi32>
      %xor3A_240 = arith.xori %iota3A_209, %xor3A_239 : vector<16xi32>
      %lt3A_241 = arith.constant 0 : i32
      %lt3A_242 = vector.broadcast %lt3A_241 : i32 to vector<16xi32>
      %lt3A_243 = arith.cmpi slt, %xor3A_240, %lt3A_242 : vector<16xi32>
      %add3A_244 = arith.constant 16 : i32
      %add3A_245 = vector.broadcast %add3A_244 : i32 to vector<16xi32>
      %add3A_246 = arith.addi %xor3A_240, %add3A_245 : vector<16xi32>
      %select_n3A_247 = arith.select %lt3A_243, %add3A_246, %xor3A_240 : vector<16xi1>, vector<16xi32>
      %broadcast_in_dim3A_248 = vector.shape_cast %select_n3A_247 : vector<16xi32> to vector<16x1xi32>
      %gather3A_249 = vector.shape_cast %broadcast_in_dim3A_248 : vector<16x1xi32> to vector<16xi32>
      %gather3A_250 = tpu.dynamic_gather %add3A_237[%gather3A_249] in [0] : vector<16xf32>, vector<16xi32> -> vector<16xf32>
      %add3A_251 = arith.addf %add3A_237, %gather3A_250 : vector<16xf32>
      %xor3A_252 = arith.constant 1 : i32
      %xor3A_253 = vector.broadcast %xor3A_252 : i32 to vector<16xi32>
      %xor3A_254 = arith.xori %iota3A_209, %xor3A_253 : vector<16xi32>
      %lt3A_255 = arith.constant 0 : i32
      %lt3A_256 = vector.broadcast %lt3A_255 : i32 to vector<16xi32>
      %lt3A_257 = arith.cmpi slt, %xor3A_254, %lt3A_256 : vector<16xi32>
      %add3A_258 = arith.constant 16 : i32
      %add3A_259 = vector.broadcast %add3A_258 : i32 to vector<16xi32>
      %add3A_260 = arith.addi %xor3A_254, %add3A_259 : vector<16xi32>
      %select_n3A_261 = arith.select %lt3A_257, %add3A_260, %xor3A_254 : vector<16xi1>, vector<16xi32>
      %broadcast_in_dim3A_262 = vector.shape_cast %select_n3A_261 : vector<16xi32> to vector<16x1xi32>
      %gather3A_263 = vector.shape_cast %broadcast_in_dim3A_262 : vector<16x1xi32> to vector<16xi32>
      %gather3A_264 = tpu.dynamic_gather %add3A_251[%gather3A_263] in [0] : vector<16xf32>, vector<16xi32> -> vector<16xf32>
      %add3A_265 = arith.addf %add3A_251, %gather3A_264 : vector<16xf32>
      %eq3A_266 = arith.constant 3 : i32
      %eq3A_267 = vector.broadcast %eq3A_266 : i32 to vector<16xi32>
      %eq3A_268 = arith.cmpi eq, %iota3A, %eq3A_267 : vector<16xi32>
      %add3A_269 = arith.addf %select_n3A_208, %add3A_265 : vector<16xf32>
      %select_n3A_270 = arith.select %eq3A_268, %add3A_269, %select_n3A_208 : vector<16xi1>, vector<16xf32>
      %iota3A_271 = tpu.iota {dimensions = array<i32: 0>} : vector<16xi32>
      %xor3A_272 = arith.constant 8 : i32
      %xor3A_273 = vector.broadcast %xor3A_272 : i32 to vector<16xi32>
      %xor3A_274 = arith.xori %iota3A_271, %xor3A_273 : vector<16xi32>
      %lt3A_275 = arith.constant 0 : i32
      %lt3A_276 = vector.broadcast %lt3A_275 : i32 to vector<16xi32>
      %lt3A_277 = arith.cmpi slt, %xor3A_274, %lt3A_276 : vector<16xi32>
      %add3A_278 = arith.constant 16 : i32
      %add3A_279 = vector.broadcast %add3A_278 : i32 to vector<16xi32>
      %add3A_280 = arith.addi %xor3A_274, %add3A_279 : vector<16xi32>
      %select_n3A_281 = arith.select %lt3A_277, %add3A_280, %xor3A_274 : vector<16xi1>, vector<16xi32>
      %broadcast_in_dim3A_282 = vector.shape_cast %select_n3A_281 : vector<16xi32> to vector<16x1xi32>
      %gather3A_283 = vector.shape_cast %broadcast_in_dim3A_282 : vector<16x1xi32> to vector<16xi32>
      %gather3A_284 = tpu.dynamic_gather %scan3A_23#4[%gather3A_283] in [0] : vector<16xf32>, vector<16xi32> -> vector<16xf32>
      %add3A_285 = arith.addf %scan3A_23#4, %gather3A_284 : vector<16xf32>
      %xor3A_286 = arith.constant 4 : i32
      %xor3A_287 = vector.broadcast %xor3A_286 : i32 to vector<16xi32>
      %xor3A_288 = arith.xori %iota3A_271, %xor3A_287 : vector<16xi32>
      %lt3A_289 = arith.constant 0 : i32
      %lt3A_290 = vector.broadcast %lt3A_289 : i32 to vector<16xi32>
      %lt3A_291 = arith.cmpi slt, %xor3A_288, %lt3A_290 : vector<16xi32>
      %add3A_292 = arith.constant 16 : i32
      %add3A_293 = vector.broadcast %add3A_292 : i32 to vector<16xi32>
      %add3A_294 = arith.addi %xor3A_288, %add3A_293 : vector<16xi32>
      %select_n3A_295 = arith.select %lt3A_291, %add3A_294, %xor3A_288 : vector<16xi1>, vector<16xi32>
      %broadcast_in_dim3A_296 = vector.shape_cast %select_n3A_295 : vector<16xi32> to vector<16x1xi32>
      %gather3A_297 = vector.shape_cast %broadcast_in_dim3A_296 : vector<16x1xi32> to vector<16xi32>
      %gather3A_298 = tpu.dynamic_gather %add3A_285[%gather3A_297] in [0] : vector<16xf32>, vector<16xi32> -> vector<16xf32>
      %add3A_299 = arith.addf %add3A_285, %gather3A_298 : vector<16xf32>
      %xor3A_300 = arith.constant 2 : i32
      %xor3A_301 = vector.broadcast %xor3A_300 : i32 to vector<16xi32>
      %xor3A_302 = arith.xori %iota3A_271, %xor3A_301 : vector<16xi32>
      %lt3A_303 = arith.constant 0 : i32
      %lt3A_304 = vector.broadcast %lt3A_303 : i32 to vector<16xi32>
      %lt3A_305 = arith.cmpi slt, %xor3A_302, %lt3A_304 : vector<16xi32>
      %add3A_306 = arith.constant 16 : i32
      %add3A_307 = vector.broadcast %add3A_306 : i32 to vector<16xi32>
      %add3A_308 = arith.addi %xor3A_302, %add3A_307 : vector<16xi32>
      %select_n3A_309 = arith.select %lt3A_305, %add3A_308, %xor3A_302 : vector<16xi1>, vector<16xi32>
      %broadcast_in_dim3A_310 = vector.shape_cast %select_n3A_309 : vector<16xi32> to vector<16x1xi32>
      %gather3A_311 = vector.shape_cast %broadcast_in_dim3A_310 : vector<16x1xi32> to vector<16xi32>
      %gather3A_312 = tpu.dynamic_gather %add3A_299[%gather3A_311] in [0] : vector<16xf32>, vector<16xi32> -> vector<16xf32>
      %add3A_313 = arith.addf %add3A_299, %gather3A_312 : vector<16xf32>
      %xor3A_314 = arith.constant 1 : i32
      %xor3A_315 = vector.broadcast %xor3A_314 : i32 to vector<16xi32>
      %xor3A_316 = arith.xori %iota3A_271, %xor3A_315 : vector<16xi32>
      %lt3A_317 = arith.constant 0 : i32
      %lt3A_318 = vector.broadcast %lt3A_317 : i32 to vector<16xi32>
      %lt3A_319 = arith.cmpi slt, %xor3A_316, %lt3A_318 : vector<16xi32>
      %add3A_320 = arith.constant 16 : i32
      %add3A_321 = vector.broadcast %add3A_320 : i32 to vector<16xi32>
      %add3A_322 = arith.addi %xor3A_316, %add3A_321 : vector<16xi32>
      %select_n3A_323 = arith.select %lt3A_319, %add3A_322, %xor3A_316 : vector<16xi1>, vector<16xi32>
      %broadcast_in_dim3A_324 = vector.shape_cast %select_n3A_323 : vector<16xi32> to vector<16x1xi32>
      %gather3A_325 = vector.shape_cast %broadcast_in_dim3A_324 : vector<16x1xi32> to vector<16xi32>
      %gather3A_326 = tpu.dynamic_gather %add3A_313[%gather3A_325] in [0] : vector<16xf32>, vector<16xi32> -> vector<16xf32>
      %add3A_327 = arith.addf %add3A_313, %gather3A_326 : vector<16xf32>
      %eq3A_328 = arith.constant 4 : i32
      %eq3A_329 = vector.broadcast %eq3A_328 : i32 to vector<16xi32>
      %eq3A_330 = arith.cmpi eq, %iota3A, %eq3A_329 : vector<16xi32>
      %add3A_331 = arith.addf %select_n3A_270, %add3A_327 : vector<16xf32>
      %select_n3A_332 = arith.select %eq3A_330, %add3A_331, %select_n3A_270 : vector<16xi1>, vector<16xf32>
      %iota3A_333 = tpu.iota {dimensions = array<i32: 0>} : vector<16xi32>
      %xor3A_334 = arith.constant 8 : i32
      %xor3A_335 = vector.broadcast %xor3A_334 : i32 to vector<16xi32>
      %xor3A_336 = arith.xori %iota3A_333, %xor3A_335 : vector<16xi32>
      %lt3A_337 = arith.constant 0 : i32
      %lt3A_338 = vector.broadcast %lt3A_337 : i32 to vector<16xi32>
      %lt3A_339 = arith.cmpi slt, %xor3A_336, %lt3A_338 : vector<16xi32>
      %add3A_340 = arith.constant 16 : i32
      %add3A_341 = vector.broadcast %add3A_340 : i32 to vector<16xi32>
      %add3A_342 = arith.addi %xor3A_336, %add3A_341 : vector<16xi32>
      %select_n3A_343 = arith.select %lt3A_339, %add3A_342, %xor3A_336 : vector<16xi1>, vector<16xi32>
      %broadcast_in_dim3A_344 = vector.shape_cast %select_n3A_343 : vector<16xi32> to vector<16x1xi32>
      %gather3A_345 = vector.shape_cast %broadcast_in_dim3A_344 : vector<16x1xi32> to vector<16xi32>
      %gather3A_346 = tpu.dynamic_gather %scan3A_23#5[%gather3A_345] in [0] : vector<16xf32>, vector<16xi32> -> vector<16xf32>
      %add3A_347 = arith.addf %scan3A_23#5, %gather3A_346 : vector<16xf32>
      %xor3A_348 = arith.constant 4 : i32
      %xor3A_349 = vector.broadcast %xor3A_348 : i32 to vector<16xi32>
      %xor3A_350 = arith.xori %iota3A_333, %xor3A_349 : vector<16xi32>
      %lt3A_351 = arith.constant 0 : i32
      %lt3A_352 = vector.broadcast %lt3A_351 : i32 to vector<16xi32>
      %lt3A_353 = arith.cmpi slt, %xor3A_350, %lt3A_352 : vector<16xi32>
      %add3A_354 = arith.constant 16 : i32
      %add3A_355 = vector.broadcast %add3A_354 : i32 to vector<16xi32>
      %add3A_356 = arith.addi %xor3A_350, %add3A_355 : vector<16xi32>
      %select_n3A_357 = arith.select %lt3A_353, %add3A_356, %xor3A_350 : vector<16xi1>, vector<16xi32>
      %broadcast_in_dim3A_358 = vector.shape_cast %select_n3A_357 : vector<16xi32> to vector<16x1xi32>
      %gather3A_359 = vector.shape_cast %broadcast_in_dim3A_358 : vector<16x1xi32> to vector<16xi32>
      %gather3A_360 = tpu.dynamic_gather %add3A_347[%gather3A_359] in [0] : vector<16xf32>, vector<16xi32> -> vector<16xf32>
      %add3A_361 = arith.addf %add3A_347, %gather3A_360 : vector<16xf32>
      %xor3A_362 = arith.constant 2 : i32
      %xor3A_363 = vector.broadcast %xor3A_362 : i32 to vector<16xi32>
      %xor3A_364 = arith.xori %iota3A_333, %xor3A_363 : vector<16xi32>
      %lt3A_365 = arith.constant 0 : i32
      %lt3A_366 = vector.broadcast %lt3A_365 : i32 to vector<16xi32>
      %lt3A_367 = arith.cmpi slt, %xor3A_364, %lt3A_366 : vector<16xi32>
      %add3A_368 = arith.constant 16 : i32
      %add3A_369 = vector.broadcast %add3A_368 : i32 to vector<16xi32>
      %add3A_370 = arith.addi %xor3A_364, %add3A_369 : vector<16xi32>
      %select_n3A_371 = arith.select %lt3A_367, %add3A_370, %xor3A_364 : vector<16xi1>, vector<16xi32>
      %broadcast_in_dim3A_372 = vector.shape_cast %select_n3A_371 : vector<16xi32> to vector<16x1xi32>
      %gather3A_373 = vector.shape_cast %broadcast_in_dim3A_372 : vector<16x1xi32> to vector<16xi32>
      %gather3A_374 = tpu.dynamic_gather %add3A_361[%gather3A_373] in [0] : vector<16xf32>, vector<16xi32> -> vector<16xf32>
      %add3A_375 = arith.addf %add3A_361, %gather3A_374 : vector<16xf32>
      %xor3A_376 = arith.constant 1 : i32
      %xor3A_377 = vector.broadcast %xor3A_376 : i32 to vector<16xi32>
      %xor3A_378 = arith.xori %iota3A_333, %xor3A_377 : vector<16xi32>
      %lt3A_379 = arith.constant 0 : i32
      %lt3A_380 = vector.broadcast %lt3A_379 : i32 to vector<16xi32>
      %lt3A_381 = arith.cmpi slt, %xor3A_378, %lt3A_380 : vector<16xi32>
      %add3A_382 = arith.constant 16 : i32
      %add3A_383 = vector.broadcast %add3A_382 : i32 to vector<16xi32>
      %add3A_384 = arith.addi %xor3A_378, %add3A_383 : vector<16xi32>
      %select_n3A_385 = arith.select %lt3A_381, %add3A_384, %xor3A_378 : vector<16xi1>, vector<16xi32>
      %broadcast_in_dim3A_386 = vector.shape_cast %select_n3A_385 : vector<16xi32> to vector<16x1xi32>
      %gather3A_387 = vector.shape_cast %broadcast_in_dim3A_386 : vector<16x1xi32> to vector<16xi32>
      %gather3A_388 = tpu.dynamic_gather %add3A_375[%gather3A_387] in [0] : vector<16xf32>, vector<16xi32> -> vector<16xf32>
      %add3A_389 = arith.addf %add3A_375, %gather3A_388 : vector<16xf32>
      %eq3A_390 = arith.constant 5 : i32
      %eq3A_391 = vector.broadcast %eq3A_390 : i32 to vector<16xi32>
      %eq3A_392 = arith.cmpi eq, %iota3A, %eq3A_391 : vector<16xi32>
      %add3A_393 = arith.addf %select_n3A_332, %add3A_389 : vector<16xf32>
      %select_n3A_394 = arith.select %eq3A_392, %add3A_393, %select_n3A_332 : vector<16xi1>, vector<16xf32>
      %iota3A_395 = tpu.iota {dimensions = array<i32: 0>} : vector<16xi32>
      %xor3A_396 = arith.constant 8 : i32
      %xor3A_397 = vector.broadcast %xor3A_396 : i32 to vector<16xi32>
      %xor3A_398 = arith.xori %iota3A_395, %xor3A_397 : vector<16xi32>
      %lt3A_399 = arith.constant 0 : i32
      %lt3A_400 = vector.broadcast %lt3A_399 : i32 to vector<16xi32>
      %lt3A_401 = arith.cmpi slt, %xor3A_398, %lt3A_400 : vector<16xi32>
      %add3A_402 = arith.constant 16 : i32
      %add3A_403 = vector.broadcast %add3A_402 : i32 to vector<16xi32>
      %add3A_404 = arith.addi %xor3A_398, %add3A_403 : vector<16xi32>
      %select_n3A_405 = arith.select %lt3A_401, %add3A_404, %xor3A_398 : vector<16xi1>, vector<16xi32>
      %broadcast_in_dim3A_406 = vector.shape_cast %select_n3A_405 : vector<16xi32> to vector<16x1xi32>
      %gather3A_407 = vector.shape_cast %broadcast_in_dim3A_406 : vector<16x1xi32> to vector<16xi32>
      %gather3A_408 = tpu.dynamic_gather %scan3A_23#6[%gather3A_407] in [0] : vector<16xf32>, vector<16xi32> -> vector<16xf32>
      %add3A_409 = arith.addf %scan3A_23#6, %gather3A_408 : vector<16xf32>
      %xor3A_410 = arith.constant 4 : i32
      %xor3A_411 = vector.broadcast %xor3A_410 : i32 to vector<16xi32>
      %xor3A_412 = arith.xori %iota3A_395, %xor3A_411 : vector<16xi32>
      %lt3A_413 = arith.constant 0 : i32
      %lt3A_414 = vector.broadcast %lt3A_413 : i32 to vector<16xi32>
      %lt3A_415 = arith.cmpi slt, %xor3A_412, %lt3A_414 : vector<16xi32>
      %add3A_416 = arith.constant 16 : i32
      %add3A_417 = vector.broadcast %add3A_416 : i32 to vector<16xi32>
      %add3A_418 = arith.addi %xor3A_412, %add3A_417 : vector<16xi32>
      %select_n3A_419 = arith.select %lt3A_415, %add3A_418, %xor3A_412 : vector<16xi1>, vector<16xi32>
      %broadcast_in_dim3A_420 = vector.shape_cast %select_n3A_419 : vector<16xi32> to vector<16x1xi32>
      %gather3A_421 = vector.shape_cast %broadcast_in_dim3A_420 : vector<16x1xi32> to vector<16xi32>
      %gather3A_422 = tpu.dynamic_gather %add3A_409[%gather3A_421] in [0] : vector<16xf32>, vector<16xi32> -> vector<16xf32>
      %add3A_423 = arith.addf %add3A_409, %gather3A_422 : vector<16xf32>
      %xor3A_424 = arith.constant 2 : i32
      %xor3A_425 = vector.broadcast %xor3A_424 : i32 to vector<16xi32>
      %xor3A_426 = arith.xori %iota3A_395, %xor3A_425 : vector<16xi32>
      %lt3A_427 = arith.constant 0 : i32
      %lt3A_428 = vector.broadcast %lt3A_427 : i32 to vector<16xi32>
      %lt3A_429 = arith.cmpi slt, %xor3A_426, %lt3A_428 : vector<16xi32>
      %add3A_430 = arith.constant 16 : i32
      %add3A_431 = vector.broadcast %add3A_430 : i32 to vector<16xi32>
      %add3A_432 = arith.addi %xor3A_426, %add3A_431 : vector<16xi32>
      %select_n3A_433 = arith.select %lt3A_429, %add3A_432, %xor3A_426 : vector<16xi1>, vector<16xi32>
      %broadcast_in_dim3A_434 = vector.shape_cast %select_n3A_433 : vector<16xi32> to vector<16x1xi32>
      %gather3A_435 = vector.shape_cast %broadcast_in_dim3A_434 : vector<16x1xi32> to vector<16xi32>
      %gather3A_436 = tpu.dynamic_gather %add3A_423[%gather3A_435] in [0] : vector<16xf32>, vector<16xi32> -> vector<16xf32>
      %add3A_437 = arith.addf %add3A_423, %gather3A_436 : vector<16xf32>
      %xor3A_438 = arith.constant 1 : i32
      %xor3A_439 = vector.broadcast %xor3A_438 : i32 to vector<16xi32>
      %xor3A_440 = arith.xori %iota3A_395, %xor3A_439 : vector<16xi32>
      %lt3A_441 = arith.constant 0 : i32
      %lt3A_442 = vector.broadcast %lt3A_441 : i32 to vector<16xi32>
      %lt3A_443 = arith.cmpi slt, %xor3A_440, %lt3A_442 : vector<16xi32>
      %add3A_444 = arith.constant 16 : i32
      %add3A_445 = vector.broadcast %add3A_444 : i32 to vector<16xi32>
      %add3A_446 = arith.addi %xor3A_440, %add3A_445 : vector<16xi32>
      %select_n3A_447 = arith.select %lt3A_443, %add3A_446, %xor3A_440 : vector<16xi1>, vector<16xi32>
      %broadcast_in_dim3A_448 = vector.shape_cast %select_n3A_447 : vector<16xi32> to vector<16x1xi32>
      %gather3A_449 = vector.shape_cast %broadcast_in_dim3A_448 : vector<16x1xi32> to vector<16xi32>
      %gather3A_450 = tpu.dynamic_gather %add3A_437[%gather3A_449] in [0] : vector<16xf32>, vector<16xi32> -> vector<16xf32>
      %add3A_451 = arith.addf %add3A_437, %gather3A_450 : vector<16xf32>
      %eq3A_452 = arith.constant 6 : i32
      %eq3A_453 = vector.broadcast %eq3A_452 : i32 to vector<16xi32>
      %eq3A_454 = arith.cmpi eq, %iota3A, %eq3A_453 : vector<16xi32>
      %add3A_455 = arith.addf %select_n3A_394, %add3A_451 : vector<16xf32>
      %select_n3A_456 = arith.select %eq3A_454, %add3A_455, %select_n3A_394 : vector<16xi1>, vector<16xf32>
      %iota3A_457 = tpu.iota {dimensions = array<i32: 0>} : vector<16xi32>
      %xor3A_458 = arith.constant 8 : i32
      %xor3A_459 = vector.broadcast %xor3A_458 : i32 to vector<16xi32>
      %xor3A_460 = arith.xori %iota3A_457, %xor3A_459 : vector<16xi32>
      %lt3A_461 = arith.constant 0 : i32
      %lt3A_462 = vector.broadcast %lt3A_461 : i32 to vector<16xi32>
      %lt3A_463 = arith.cmpi slt, %xor3A_460, %lt3A_462 : vector<16xi32>
      %add3A_464 = arith.constant 16 : i32
      %add3A_465 = vector.broadcast %add3A_464 : i32 to vector<16xi32>
      %add3A_466 = arith.addi %xor3A_460, %add3A_465 : vector<16xi32>
      %select_n3A_467 = arith.select %lt3A_463, %add3A_466, %xor3A_460 : vector<16xi1>, vector<16xi32>
      %broadcast_in_dim3A_468 = vector.shape_cast %select_n3A_467 : vector<16xi32> to vector<16x1xi32>
      %gather3A_469 = vector.shape_cast %broadcast_in_dim3A_468 : vector<16x1xi32> to vector<16xi32>
      %gather3A_470 = tpu.dynamic_gather %scan3A_23#7[%gather3A_469] in [0] : vector<16xf32>, vector<16xi32> -> vector<16xf32>
      %add3A_471 = arith.addf %scan3A_23#7, %gather3A_470 : vector<16xf32>
      %xor3A_472 = arith.constant 4 : i32
      %xor3A_473 = vector.broadcast %xor3A_472 : i32 to vector<16xi32>
      %xor3A_474 = arith.xori %iota3A_457, %xor3A_473 : vector<16xi32>
      %lt3A_475 = arith.constant 0 : i32
      %lt3A_476 = vector.broadcast %lt3A_475 : i32 to vector<16xi32>
      %lt3A_477 = arith.cmpi slt, %xor3A_474, %lt3A_476 : vector<16xi32>
      %add3A_478 = arith.constant 16 : i32
      %add3A_479 = vector.broadcast %add3A_478 : i32 to vector<16xi32>
      %add3A_480 = arith.addi %xor3A_474, %add3A_479 : vector<16xi32>
      %select_n3A_481 = arith.select %lt3A_477, %add3A_480, %xor3A_474 : vector<16xi1>, vector<16xi32>
      %broadcast_in_dim3A_482 = vector.shape_cast %select_n3A_481 : vector<16xi32> to vector<16x1xi32>
      %gather3A_483 = vector.shape_cast %broadcast_in_dim3A_482 : vector<16x1xi32> to vector<16xi32>
      %gather3A_484 = tpu.dynamic_gather %add3A_471[%gather3A_483] in [0] : vector<16xf32>, vector<16xi32> -> vector<16xf32>
      %add3A_485 = arith.addf %add3A_471, %gather3A_484 : vector<16xf32>
      %xor3A_486 = arith.constant 2 : i32
      %xor3A_487 = vector.broadcast %xor3A_486 : i32 to vector<16xi32>
      %xor3A_488 = arith.xori %iota3A_457, %xor3A_487 : vector<16xi32>
      %lt3A_489 = arith.constant 0 : i32
      %lt3A_490 = vector.broadcast %lt3A_489 : i32 to vector<16xi32>
      %lt3A_491 = arith.cmpi slt, %xor3A_488, %lt3A_490 : vector<16xi32>
      %add3A_492 = arith.constant 16 : i32
      %add3A_493 = vector.broadcast %add3A_492 : i32 to vector<16xi32>
      %add3A_494 = arith.addi %xor3A_488, %add3A_493 : vector<16xi32>
      %select_n3A_495 = arith.select %lt3A_491, %add3A_494, %xor3A_488 : vector<16xi1>, vector<16xi32>
      %broadcast_in_dim3A_496 = vector.shape_cast %select_n3A_495 : vector<16xi32> to vector<16x1xi32>
      %gather3A_497 = vector.shape_cast %broadcast_in_dim3A_496 : vector<16x1xi32> to vector<16xi32>
      %gather3A_498 = tpu.dynamic_gather %add3A_485[%gather3A_497] in [0] : vector<16xf32>, vector<16xi32> -> vector<16xf32>
      %add3A_499 = arith.addf %add3A_485, %gather3A_498 : vector<16xf32>
      %xor3A_500 = arith.constant 1 : i32
      %xor3A_501 = vector.broadcast %xor3A_500 : i32 to vector<16xi32>
      %xor3A_502 = arith.xori %iota3A_457, %xor3A_501 : vector<16xi32>
      %lt3A_503 = arith.constant 0 : i32
      %lt3A_504 = vector.broadcast %lt3A_503 : i32 to vector<16xi32>
      %lt3A_505 = arith.cmpi slt, %xor3A_502, %lt3A_504 : vector<16xi32>
      %add3A_506 = arith.constant 16 : i32
      %add3A_507 = vector.broadcast %add3A_506 : i32 to vector<16xi32>
      %add3A_508 = arith.addi %xor3A_502, %add3A_507 : vector<16xi32>
      %select_n3A_509 = arith.select %lt3A_505, %add3A_508, %xor3A_502 : vector<16xi1>, vector<16xi32>
      %broadcast_in_dim3A_510 = vector.shape_cast %select_n3A_509 : vector<16xi32> to vector<16x1xi32>
      %gather3A_511 = vector.shape_cast %broadcast_in_dim3A_510 : vector<16x1xi32> to vector<16xi32>
      %gather3A_512 = tpu.dynamic_gather %add3A_499[%gather3A_511] in [0] : vector<16xf32>, vector<16xi32> -> vector<16xf32>
      %add3A_513 = arith.addf %add3A_499, %gather3A_512 : vector<16xf32>
      %eq3A_514 = arith.constant 7 : i32
      %eq3A_515 = vector.broadcast %eq3A_514 : i32 to vector<16xi32>
      %eq3A_516 = arith.cmpi eq, %iota3A, %eq3A_515 : vector<16xi32>
      %add3A_517 = arith.addf %select_n3A_456, %add3A_513 : vector<16xf32>
      %select_n3A_518 = arith.select %eq3A_516, %add3A_517, %select_n3A_456 : vector<16xi1>, vector<16xf32>
      %lt3A_519 = arith.constant 8 : i32
      %lt3A_520 = vector.broadcast %lt3A_519 : i32 to vector<16xi32>
      %lt3A_521 = arith.cmpi slt, %iota3A, %lt3A_520 : vector<16xi32>
      %select_n3A_522 = arith.select %lt3A_521, %select_n3A_518, %broadcast_in_dim3A_3 : vector<16xi1>, vector<16xf32>
      %iota3A_523 = tpu.iota {dimensions = array<i32: 0>} : vector<16xi32>
      %xor3A_524 = arith.constant 8 : i32
      %xor3A_525 = vector.broadcast %xor3A_524 : i32 to vector<16xi32>
      %xor3A_526 = arith.xori %iota3A_523, %xor3A_525 : vector<16xi32>
      %lt3A_527 = arith.constant 0 : i32
      %lt3A_528 = vector.broadcast %lt3A_527 : i32 to vector<16xi32>
      %lt3A_529 = arith.cmpi slt, %xor3A_526, %lt3A_528 : vector<16xi32>
      %add3A_530 = arith.constant 16 : i32
      %add3A_531 = vector.broadcast %add3A_530 : i32 to vector<16xi32>
      %add3A_532 = arith.addi %xor3A_526, %add3A_531 : vector<16xi32>
      %select_n3A_533 = arith.select %lt3A_529, %add3A_532, %xor3A_526 : vector<16xi1>, vector<16xi32>
      %broadcast_in_dim3A_534 = vector.shape_cast %select_n3A_533 : vector<16xi32> to vector<16x1xi32>
      %gather3A_535 = vector.shape_cast %broadcast_in_dim3A_534 : vector<16x1xi32> to vector<16xi32>
      %gather3A_536 = tpu.dynamic_gather %select_n3A_522[%gather3A_535] in [0] : vector<16xf32>, vector<16xi32> -> vector<16xf32>
      %max3A = arith.maximumf %select_n3A_522, %gather3A_536 : vector<16xf32>
      %xor3A_537 = arith.constant 4 : i32
      %xor3A_538 = vector.broadcast %xor3A_537 : i32 to vector<16xi32>
      %xor3A_539 = arith.xori %iota3A_523, %xor3A_538 : vector<16xi32>
      %lt3A_540 = arith.constant 0 : i32
      %lt3A_541 = vector.broadcast %lt3A_540 : i32 to vector<16xi32>
      %lt3A_542 = arith.cmpi slt, %xor3A_539, %lt3A_541 : vector<16xi32>
      %add3A_543 = arith.constant 16 : i32
      %add3A_544 = vector.broadcast %add3A_543 : i32 to vector<16xi32>
      %add3A_545 = arith.addi %xor3A_539, %add3A_544 : vector<16xi32>
      %select_n3A_546 = arith.select %lt3A_542, %add3A_545, %xor3A_539 : vector<16xi1>, vector<16xi32>
      %broadcast_in_dim3A_547 = vector.shape_cast %select_n3A_546 : vector<16xi32> to vector<16x1xi32>
      %gather3A_548 = vector.shape_cast %broadcast_in_dim3A_547 : vector<16x1xi32> to vector<16xi32>
      %gather3A_549 = tpu.dynamic_gather %max3A[%gather3A_548] in [0] : vector<16xf32>, vector<16xi32> -> vector<16xf32>
      %max3A_550 = arith.maximumf %max3A, %gather3A_549 : vector<16xf32>
      %xor3A_551 = arith.constant 2 : i32
      %xor3A_552 = vector.broadcast %xor3A_551 : i32 to vector<16xi32>
      %xor3A_553 = arith.xori %iota3A_523, %xor3A_552 : vector<16xi32>
      %lt3A_554 = arith.constant 0 : i32
      %lt3A_555 = vector.broadcast %lt3A_554 : i32 to vector<16xi32>
      %lt3A_556 = arith.cmpi slt, %xor3A_553, %lt3A_555 : vector<16xi32>
      %add3A_557 = arith.constant 16 : i32
      %add3A_558 = vector.broadcast %add3A_557 : i32 to vector<16xi32>
      %add3A_559 = arith.addi %xor3A_553, %add3A_558 : vector<16xi32>
      %select_n3A_560 = arith.select %lt3A_556, %add3A_559, %xor3A_553 : vector<16xi1>, vector<16xi32>
      %broadcast_in_dim3A_561 = vector.shape_cast %select_n3A_560 : vector<16xi32> to vector<16x1xi32>
      %gather3A_562 = vector.shape_cast %broadcast_in_dim3A_561 : vector<16x1xi32> to vector<16xi32>
      %gather3A_563 = tpu.dynamic_gather %max3A_550[%gather3A_562] in [0] : vector<16xf32>, vector<16xi32> -> vector<16xf32>
      %max3A_564 = arith.maximumf %max3A_550, %gather3A_563 : vector<16xf32>
      %xor3A_565 = arith.constant 1 : i32
      %xor3A_566 = vector.broadcast %xor3A_565 : i32 to vector<16xi32>
      %xor3A_567 = arith.xori %iota3A_523, %xor3A_566 : vector<16xi32>
      %lt3A_568 = arith.constant 0 : i32
      %lt3A_569 = vector.broadcast %lt3A_568 : i32 to vector<16xi32>
      %lt3A_570 = arith.cmpi slt, %xor3A_567, %lt3A_569 : vector<16xi32>
      %add3A_571 = arith.constant 16 : i32
      %add3A_572 = vector.broadcast %add3A_571 : i32 to vector<16xi32>
      %add3A_573 = arith.addi %xor3A_567, %add3A_572 : vector<16xi32>
      %select_n3A_574 = arith.select %lt3A_570, %add3A_573, %xor3A_567 : vector<16xi1>, vector<16xi32>
      %broadcast_in_dim3A_575 = vector.shape_cast %select_n3A_574 : vector<16xi32> to vector<16x1xi32>
      %gather3A_576 = vector.shape_cast %broadcast_in_dim3A_575 : vector<16x1xi32> to vector<16xi32>
      %gather3A_577 = tpu.dynamic_gather %max3A_564[%gather3A_576] in [0] : vector<16xf32>, vector<16xi32> -> vector<16xf32>
      %max3A_578 = arith.maximumf %max3A_564, %gather3A_577 : vector<16xf32>
      %lt3A_579 = arith.constant 8 : i32
      %lt3A_580 = vector.broadcast %lt3A_579 : i32 to vector<16xi32>
      %lt3A_581 = arith.cmpi slt, %iota3A, %lt3A_580 : vector<16xi32>
      %sub3A = arith.subf %select_n3A_522, %max3A_578 : vector<16xf32>
      %exp3A = math.exp %sub3A : vector<16xf32>
      %broadcast_in_dim3A_582 = arith.constant 0.000000e+00 : f32
      %broadcast_in_dim3A_583 = vector.broadcast %broadcast_in_dim3A_582 : f32 to vector<16xf32>
      %select_n3A_584 = arith.select %lt3A_581, %exp3A, %broadcast_in_dim3A_583 : vector<16xi1>, vector<16xf32>
      %iota3A_585 = tpu.iota {dimensions = array<i32: 0>} : vector<16xi32>
      %xor3A_586 = arith.constant 8 : i32
      %xor3A_587 = vector.broadcast %xor3A_586 : i32 to vector<16xi32>
      %xor3A_588 = arith.xori %iota3A_585, %xor3A_587 : vector<16xi32>
      %lt3A_589 = arith.constant 0 : i32
      %lt3A_590 = vector.broadcast %lt3A_589 : i32 to vector<16xi32>
      %lt3A_591 = arith.cmpi slt, %xor3A_588, %lt3A_590 : vector<16xi32>
      %add3A_592 = arith.constant 16 : i32
      %add3A_593 = vector.broadcast %add3A_592 : i32 to vector<16xi32>
      %add3A_594 = arith.addi %xor3A_588, %add3A_593 : vector<16xi32>
      %select_n3A_595 = arith.select %lt3A_591, %add3A_594, %xor3A_588 : vector<16xi1>, vector<16xi32>
      %broadcast_in_dim3A_596 = vector.shape_cast %select_n3A_595 : vector<16xi32> to vector<16x1xi32>
      %gather3A_597 = vector.shape_cast %broadcast_in_dim3A_596 : vector<16x1xi32> to vector<16xi32>
      %gather3A_598 = tpu.dynamic_gather %select_n3A_584[%gather3A_597] in [0] : vector<16xf32>, vector<16xi32> -> vector<16xf32>
      %add3A_599 = arith.addf %select_n3A_584, %gather3A_598 : vector<16xf32>
      %xor3A_600 = arith.constant 4 : i32
      %xor3A_601 = vector.broadcast %xor3A_600 : i32 to vector<16xi32>
      %xor3A_602 = arith.xori %iota3A_585, %xor3A_601 : vector<16xi32>
      %lt3A_603 = arith.constant 0 : i32
      %lt3A_604 = vector.broadcast %lt3A_603 : i32 to vector<16xi32>
      %lt3A_605 = arith.cmpi slt, %xor3A_602, %lt3A_604 : vector<16xi32>
      %add3A_606 = arith.constant 16 : i32
      %add3A_607 = vector.broadcast %add3A_606 : i32 to vector<16xi32>
      %add3A_608 = arith.addi %xor3A_602, %add3A_607 : vector<16xi32>
      %select_n3A_609 = arith.select %lt3A_605, %add3A_608, %xor3A_602 : vector<16xi1>, vector<16xi32>
      %broadcast_in_dim3A_610 = vector.shape_cast %select_n3A_609 : vector<16xi32> to vector<16x1xi32>
      %gather3A_611 = vector.shape_cast %broadcast_in_dim3A_610 : vector<16x1xi32> to vector<16xi32>
      %gather3A_612 = tpu.dynamic_gather %add3A_599[%gather3A_611] in [0] : vector<16xf32>, vector<16xi32> -> vector<16xf32>
      %add3A_613 = arith.addf %add3A_599, %gather3A_612 : vector<16xf32>
      %xor3A_614 = arith.constant 2 : i32
      %xor3A_615 = vector.broadcast %xor3A_614 : i32 to vector<16xi32>
      %xor3A_616 = arith.xori %iota3A_585, %xor3A_615 : vector<16xi32>
      %lt3A_617 = arith.constant 0 : i32
      %lt3A_618 = vector.broadcast %lt3A_617 : i32 to vector<16xi32>
      %lt3A_619 = arith.cmpi slt, %xor3A_616, %lt3A_618 : vector<16xi32>
      %add3A_620 = arith.constant 16 : i32
      %add3A_621 = vector.broadcast %add3A_620 : i32 to vector<16xi32>
      %add3A_622 = arith.addi %xor3A_616, %add3A_621 : vector<16xi32>
      %select_n3A_623 = arith.select %lt3A_619, %add3A_622, %xor3A_616 : vector<16xi1>, vector<16xi32>
      %broadcast_in_dim3A_624 = vector.shape_cast %select_n3A_623 : vector<16xi32> to vector<16x1xi32>
      %gather3A_625 = vector.shape_cast %broadcast_in_dim3A_624 : vector<16x1xi32> to vector<16xi32>
      %gather3A_626 = tpu.dynamic_gather %add3A_613[%gather3A_625] in [0] : vector<16xf32>, vector<16xi32> -> vector<16xf32>
      %add3A_627 = arith.addf %add3A_613, %gather3A_626 : vector<16xf32>
      %xor3A_628 = arith.constant 1 : i32
      %xor3A_629 = vector.broadcast %xor3A_628 : i32 to vector<16xi32>
      %xor3A_630 = arith.xori %iota3A_585, %xor3A_629 : vector<16xi32>
      %lt3A_631 = arith.constant 0 : i32
      %lt3A_632 = vector.broadcast %lt3A_631 : i32 to vector<16xi32>
      %lt3A_633 = arith.cmpi slt, %xor3A_630, %lt3A_632 : vector<16xi32>
      %add3A_634 = arith.constant 16 : i32
      %add3A_635 = vector.broadcast %add3A_634 : i32 to vector<16xi32>
      %add3A_636 = arith.addi %xor3A_630, %add3A_635 : vector<16xi32>
      %select_n3A_637 = arith.select %lt3A_633, %add3A_636, %xor3A_630 : vector<16xi1>, vector<16xi32>
      %broadcast_in_dim3A_638 = vector.shape_cast %select_n3A_637 : vector<16xi32> to vector<16x1xi32>
      %gather3A_639 = vector.shape_cast %broadcast_in_dim3A_638 : vector<16x1xi32> to vector<16xi32>
      %gather3A_640 = tpu.dynamic_gather %add3A_627[%gather3A_639] in [0] : vector<16xf32>, vector<16xi32> -> vector<16xf32>
      %add3A_641 = arith.addf %add3A_627, %gather3A_640 : vector<16xf32>
      %div3A = arith.divf %select_n3A_584, %add3A_641 : vector<16xf32>
      %iota3A_642 = tpu.iota {dimensions = array<i32: 0>} : vector<16xi32>
      %xor3A_643 = arith.constant 8 : i32
      %xor3A_644 = vector.broadcast %xor3A_643 : i32 to vector<16xi32>
      %xor3A_645 = arith.xori %iota3A_642, %xor3A_644 : vector<16xi32>
      %lt3A_646 = arith.constant 0 : i32
      %lt3A_647 = vector.broadcast %lt3A_646 : i32 to vector<16xi32>
      %lt3A_648 = arith.cmpi slt, %xor3A_645, %lt3A_647 : vector<16xi32>
      %add3A_649 = arith.constant 16 : i32
      %add3A_650 = vector.broadcast %add3A_649 : i32 to vector<16xi32>
      %add3A_651 = arith.addi %xor3A_645, %add3A_650 : vector<16xi32>
      %select_n3A_652 = arith.select %lt3A_648, %add3A_651, %xor3A_645 : vector<16xi1>, vector<16xi32>
      %broadcast_in_dim3A_653 = vector.shape_cast %select_n3A_652 : vector<16xi32> to vector<16x1xi32>
      %gather3A_654 = vector.shape_cast %broadcast_in_dim3A_653 : vector<16x1xi32> to vector<16xi32>
      %gather3A_655 = tpu.dynamic_gather %div3A[%gather3A_654] in [0] : vector<16xf32>, vector<16xi32> -> vector<16xf32>
      %max3A_656 = arith.maximumf %div3A, %gather3A_655 : vector<16xf32>
      %xor3A_657 = arith.constant 4 : i32
      %xor3A_658 = vector.broadcast %xor3A_657 : i32 to vector<16xi32>
      %xor3A_659 = arith.xori %iota3A_642, %xor3A_658 : vector<16xi32>
      %lt3A_660 = arith.constant 0 : i32
      %lt3A_661 = vector.broadcast %lt3A_660 : i32 to vector<16xi32>
      %lt3A_662 = arith.cmpi slt, %xor3A_659, %lt3A_661 : vector<16xi32>
      %add3A_663 = arith.constant 16 : i32
      %add3A_664 = vector.broadcast %add3A_663 : i32 to vector<16xi32>
      %add3A_665 = arith.addi %xor3A_659, %add3A_664 : vector<16xi32>
      %select_n3A_666 = arith.select %lt3A_662, %add3A_665, %xor3A_659 : vector<16xi1>, vector<16xi32>
      %broadcast_in_dim3A_667 = vector.shape_cast %select_n3A_666 : vector<16xi32> to vector<16x1xi32>
      %gather3A_668 = vector.shape_cast %broadcast_in_dim3A_667 : vector<16x1xi32> to vector<16xi32>
      %gather3A_669 = tpu.dynamic_gather %max3A_656[%gather3A_668] in [0] : vector<16xf32>, vector<16xi32> -> vector<16xf32>
      %max3A_670 = arith.maximumf %max3A_656, %gather3A_669 : vector<16xf32>
      %xor3A_671 = arith.constant 2 : i32
      %xor3A_672 = vector.broadcast %xor3A_671 : i32 to vector<16xi32>
      %xor3A_673 = arith.xori %iota3A_642, %xor3A_672 : vector<16xi32>
      %lt3A_674 = arith.constant 0 : i32
      %lt3A_675 = vector.broadcast %lt3A_674 : i32 to vector<16xi32>
      %lt3A_676 = arith.cmpi slt, %xor3A_673, %lt3A_675 : vector<16xi32>
      %add3A_677 = arith.constant 16 : i32
      %add3A_678 = vector.broadcast %add3A_677 : i32 to vector<16xi32>
      %add3A_679 = arith.addi %xor3A_673, %add3A_678 : vector<16xi32>
      %select_n3A_680 = arith.select %lt3A_676, %add3A_679, %xor3A_673 : vector<16xi1>, vector<16xi32>
      %broadcast_in_dim3A_681 = vector.shape_cast %select_n3A_680 : vector<16xi32> to vector<16x1xi32>
      %gather3A_682 = vector.shape_cast %broadcast_in_dim3A_681 : vector<16x1xi32> to vector<16xi32>
      %gather3A_683 = tpu.dynamic_gather %max3A_670[%gather3A_682] in [0] : vector<16xf32>, vector<16xi32> -> vector<16xf32>
      %max3A_684 = arith.maximumf %max3A_670, %gather3A_683 : vector<16xf32>
      %xor3A_685 = arith.constant 1 : i32
      %xor3A_686 = vector.broadcast %xor3A_685 : i32 to vector<16xi32>
      %xor3A_687 = arith.xori %iota3A_642, %xor3A_686 : vector<16xi32>
      %lt3A_688 = arith.constant 0 : i32
      %lt3A_689 = vector.broadcast %lt3A_688 : i32 to vector<16xi32>
      %lt3A_690 = arith.cmpi slt, %xor3A_687, %lt3A_689 : vector<16xi32>
      %add3A_691 = arith.constant 16 : i32
      %add3A_692 = vector.broadcast %add3A_691 : i32 to vector<16xi32>
      %add3A_693 = arith.addi %xor3A_687, %add3A_692 : vector<16xi32>
      %select_n3A_694 = arith.select %lt3A_690, %add3A_693, %xor3A_687 : vector<16xi1>, vector<16xi32>
      %broadcast_in_dim3A_695 = vector.shape_cast %select_n3A_694 : vector<16xi32> to vector<16x1xi32>
      %gather3A_696 = vector.shape_cast %broadcast_in_dim3A_695 : vector<16x1xi32> to vector<16xi32>
      %gather3A_697 = tpu.dynamic_gather %max3A_684[%gather3A_696] in [0] : vector<16xf32>, vector<16xi32> -> vector<16xf32>
      %max3A_698 = arith.maximumf %max3A_684, %gather3A_697 : vector<16xf32>
      %eq3A_699 = arith.cmpf oeq, %div3A, %max3A_698 : vector<16xf32>
      %broadcast_in_dim3A_700 = arith.constant 16 : i32
      %broadcast_in_dim3A_701 = vector.broadcast %broadcast_in_dim3A_700 : i32 to vector<16xi32>
      %select_n3A_702 = arith.select %eq3A_699, %iota3A, %broadcast_in_dim3A_701 : vector<16xi1>, vector<16xi32>
      %iota3A_703 = tpu.iota {dimensions = array<i32: 0>} : vector<16xi32>
      %xor3A_704 = arith.constant 8 : i32
      %xor3A_705 = vector.broadcast %xor3A_704 : i32 to vector<16xi32>
      %xor3A_706 = arith.xori %iota3A_703, %xor3A_705 : vector<16xi32>
      %lt3A_707 = arith.constant 0 : i32
      %lt3A_708 = vector.broadcast %lt3A_707 : i32 to vector<16xi32>
      %lt3A_709 = arith.cmpi slt, %xor3A_706, %lt3A_708 : vector<16xi32>
      %add3A_710 = arith.constant 16 : i32
      %add3A_711 = vector.broadcast %add3A_710 : i32 to vector<16xi32>
      %add3A_712 = arith.addi %xor3A_706, %add3A_711 : vector<16xi32>
      %select_n3A_713 = arith.select %lt3A_709, %add3A_712, %xor3A_706 : vector<16xi1>, vector<16xi32>
      %broadcast_in_dim3A_714 = vector.shape_cast %select_n3A_713 : vector<16xi32> to vector<16x1xi32>
      %gather3A_715 = vector.shape_cast %broadcast_in_dim3A_714 : vector<16x1xi32> to vector<16xi32>
      %gather3A_716 = tpu.dynamic_gather %select_n3A_702[%gather3A_715] in [0] : vector<16xi32>, vector<16xi32> -> vector<16xi32>
      %min3A = arith.minsi %select_n3A_702, %gather3A_716 : vector<16xi32>
      %xor3A_717 = arith.constant 4 : i32
      %xor3A_718 = vector.broadcast %xor3A_717 : i32 to vector<16xi32>
      %xor3A_719 = arith.xori %iota3A_703, %xor3A_718 : vector<16xi32>
      %lt3A_720 = arith.constant 0 : i32
      %lt3A_721 = vector.broadcast %lt3A_720 : i32 to vector<16xi32>
      %lt3A_722 = arith.cmpi slt, %xor3A_719, %lt3A_721 : vector<16xi32>
      %add3A_723 = arith.constant 16 : i32
      %add3A_724 = vector.broadcast %add3A_723 : i32 to vector<16xi32>
      %add3A_725 = arith.addi %xor3A_719, %add3A_724 : vector<16xi32>
      %select_n3A_726 = arith.select %lt3A_722, %add3A_725, %xor3A_719 : vector<16xi1>, vector<16xi32>
      %broadcast_in_dim3A_727 = vector.shape_cast %select_n3A_726 : vector<16xi32> to vector<16x1xi32>
      %gather3A_728 = vector.shape_cast %broadcast_in_dim3A_727 : vector<16x1xi32> to vector<16xi32>
      %gather3A_729 = tpu.dynamic_gather %min3A[%gather3A_728] in [0] : vector<16xi32>, vector<16xi32> -> vector<16xi32>
      %min3A_730 = arith.minsi %min3A, %gather3A_729 : vector<16xi32>
      %xor3A_731 = arith.constant 2 : i32
      %xor3A_732 = vector.broadcast %xor3A_731 : i32 to vector<16xi32>
      %xor3A_733 = arith.xori %iota3A_703, %xor3A_732 : vector<16xi32>
      %lt3A_734 = arith.constant 0 : i32
      %lt3A_735 = vector.broadcast %lt3A_734 : i32 to vector<16xi32>
      %lt3A_736 = arith.cmpi slt, %xor3A_733, %lt3A_735 : vector<16xi32>
      %add3A_737 = arith.constant 16 : i32
      %add3A_738 = vector.broadcast %add3A_737 : i32 to vector<16xi32>
      %add3A_739 = arith.addi %xor3A_733, %add3A_738 : vector<16xi32>
      %select_n3A_740 = arith.select %lt3A_736, %add3A_739, %xor3A_733 : vector<16xi1>, vector<16xi32>
      %broadcast_in_dim3A_741 = vector.shape_cast %select_n3A_740 : vector<16xi32> to vector<16x1xi32>
      %gather3A_742 = vector.shape_cast %broadcast_in_dim3A_741 : vector<16x1xi32> to vector<16xi32>
      %gather3A_743 = tpu.dynamic_gather %min3A_730[%gather3A_742] in [0] : vector<16xi32>, vector<16xi32> -> vector<16xi32>
      %min3A_744 = arith.minsi %min3A_730, %gather3A_743 : vector<16xi32>
      %xor3A_745 = arith.constant 1 : i32
      %xor3A_746 = vector.broadcast %xor3A_745 : i32 to vector<16xi32>
      %xor3A_747 = arith.xori %iota3A_703, %xor3A_746 : vector<16xi32>
      %lt3A_748 = arith.constant 0 : i32
      %lt3A_749 = vector.broadcast %lt3A_748 : i32 to vector<16xi32>
      %lt3A_750 = arith.cmpi slt, %xor3A_747, %lt3A_749 : vector<16xi32>
      %add3A_751 = arith.constant 16 : i32
      %add3A_752 = vector.broadcast %add3A_751 : i32 to vector<16xi32>
      %add3A_753 = arith.addi %xor3A_747, %add3A_752 : vector<16xi32>
      %select_n3A_754 = arith.select %lt3A_750, %add3A_753, %xor3A_747 : vector<16xi1>, vector<16xi32>
      %broadcast_in_dim3A_755 = vector.shape_cast %select_n3A_754 : vector<16xi32> to vector<16x1xi32>
      %gather3A_756 = vector.shape_cast %broadcast_in_dim3A_755 : vector<16x1xi32> to vector<16xi32>
      %gather3A_757 = tpu.dynamic_gather %min3A_744[%gather3A_756] in [0] : vector<16xi32>, vector<16xi32> -> vector<16xi32>
      %min3A_758 = arith.minsi %min3A_744, %gather3A_757 : vector<16xi32>
      %eq3A_759 = arith.cmpi eq, %iota3A, %min3A_758 : vector<16xi32>
      %select_n3A_760 = arith.select %eq3A_759, %broadcast_in_dim3A_3, %div3A : vector<16xi1>, vector<16xf32>
      %iota3A_761 = tpu.iota {dimensions = array<i32: 0>} : vector<16xi32>
      %xor3A_762 = arith.constant 8 : i32
      %xor3A_763 = vector.broadcast %xor3A_762 : i32 to vector<16xi32>
      %xor3A_764 = arith.xori %iota3A_761, %xor3A_763 : vector<16xi32>
      %lt3A_765 = arith.constant 0 : i32
      %lt3A_766 = vector.broadcast %lt3A_765 : i32 to vector<16xi32>
      %lt3A_767 = arith.cmpi slt, %xor3A_764, %lt3A_766 : vector<16xi32>
      %add3A_768 = arith.constant 16 : i32
      %add3A_769 = vector.broadcast %add3A_768 : i32 to vector<16xi32>
      %add3A_770 = arith.addi %xor3A_764, %add3A_769 : vector<16xi32>
      %select_n3A_771 = arith.select %lt3A_767, %add3A_770, %xor3A_764 : vector<16xi1>, vector<16xi32>
      %broadcast_in_dim3A_772 = vector.shape_cast %select_n3A_771 : vector<16xi32> to vector<16x1xi32>
      %gather3A_773 = vector.shape_cast %broadcast_in_dim3A_772 : vector<16x1xi32> to vector<16xi32>
      %gather3A_774 = tpu.dynamic_gather %select_n3A_760[%gather3A_773] in [0] : vector<16xf32>, vector<16xi32> -> vector<16xf32>
      %max3A_775 = arith.maximumf %select_n3A_760, %gather3A_774 : vector<16xf32>
      %xor3A_776 = arith.constant 4 : i32
      %xor3A_777 = vector.broadcast %xor3A_776 : i32 to vector<16xi32>
      %xor3A_778 = arith.xori %iota3A_761, %xor3A_777 : vector<16xi32>
      %lt3A_779 = arith.constant 0 : i32
      %lt3A_780 = vector.broadcast %lt3A_779 : i32 to vector<16xi32>
      %lt3A_781 = arith.cmpi slt, %xor3A_778, %lt3A_780 : vector<16xi32>
      %add3A_782 = arith.constant 16 : i32
      %add3A_783 = vector.broadcast %add3A_782 : i32 to vector<16xi32>
      %add3A_784 = arith.addi %xor3A_778, %add3A_783 : vector<16xi32>
      %select_n3A_785 = arith.select %lt3A_781, %add3A_784, %xor3A_778 : vector<16xi1>, vector<16xi32>
      %broadcast_in_dim3A_786 = vector.shape_cast %select_n3A_785 : vector<16xi32> to vector<16x1xi32>
      %gather3A_787 = vector.shape_cast %broadcast_in_dim3A_786 : vector<16x1xi32> to vector<16xi32>
      %gather3A_788 = tpu.dynamic_gather %max3A_775[%gather3A_787] in [0] : vector<16xf32>, vector<16xi32> -> vector<16xf32>
      %max3A_789 = arith.maximumf %max3A_775, %gather3A_788 : vector<16xf32>
      %xor3A_790 = arith.constant 2 : i32
      %xor3A_791 = vector.broadcast %xor3A_790 : i32 to vector<16xi32>
      %xor3A_792 = arith.xori %iota3A_761, %xor3A_791 : vector<16xi32>
      %lt3A_793 = arith.constant 0 : i32
      %lt3A_794 = vector.broadcast %lt3A_793 : i32 to vector<16xi32>
      %lt3A_795 = arith.cmpi slt, %xor3A_792, %lt3A_794 : vector<16xi32>
      %add3A_796 = arith.constant 16 : i32
      %add3A_797 = vector.broadcast %add3A_796 : i32 to vector<16xi32>
      %add3A_798 = arith.addi %xor3A_792, %add3A_797 : vector<16xi32>
      %select_n3A_799 = arith.select %lt3A_795, %add3A_798, %xor3A_792 : vector<16xi1>, vector<16xi32>
      %broadcast_in_dim3A_800 = vector.shape_cast %select_n3A_799 : vector<16xi32> to vector<16x1xi32>
      %gather3A_801 = vector.shape_cast %broadcast_in_dim3A_800 : vector<16x1xi32> to vector<16xi32>
      %gather3A_802 = tpu.dynamic_gather %max3A_789[%gather3A_801] in [0] : vector<16xf32>, vector<16xi32> -> vector<16xf32>
      %max3A_803 = arith.maximumf %max3A_789, %gather3A_802 : vector<16xf32>
      %xor3A_804 = arith.constant 1 : i32
      %xor3A_805 = vector.broadcast %xor3A_804 : i32 to vector<16xi32>
      %xor3A_806 = arith.xori %iota3A_761, %xor3A_805 : vector<16xi32>
      %lt3A_807 = arith.constant 0 : i32
      %lt3A_808 = vector.broadcast %lt3A_807 : i32 to vector<16xi32>
      %lt3A_809 = arith.cmpi slt, %xor3A_806, %lt3A_808 : vector<16xi32>
      %add3A_810 = arith.constant 16 : i32
      %add3A_811 = vector.broadcast %add3A_810 : i32 to vector<16xi32>
      %add3A_812 = arith.addi %xor3A_806, %add3A_811 : vector<16xi32>
      %select_n3A_813 = arith.select %lt3A_809, %add3A_812, %xor3A_806 : vector<16xi1>, vector<16xi32>
      %broadcast_in_dim3A_814 = vector.shape_cast %select_n3A_813 : vector<16xi32> to vector<16x1xi32>
      %gather3A_815 = vector.shape_cast %broadcast_in_dim3A_814 : vector<16x1xi32> to vector<16xi32>
      %gather3A_816 = tpu.dynamic_gather %max3A_803[%gather3A_815] in [0] : vector<16xf32>, vector<16xi32> -> vector<16xf32>
      %max3A_817 = arith.maximumf %max3A_803, %gather3A_816 : vector<16xf32>
      %get3A_818 = arith.constant 0 : index
      %get3A_819 = tpu.vector_load %arg12[%get3A_818] {strides = array<i32>} : memref<64xf32, #tpu.memory_space<vmem>>, vector<16xf32>,
      %get3A_820 = vector.shape_cast %get3A_819 : vector<16xf32> to vector<16xf32>
      %slice3A = vector.extract_strided_slice %get3A_820 {offsets = [0], sizes = [1], strides = [1]} : vector<16xf32> to vector<1xf32>
      %squeeze3A = vector.extract %slice3A[0] : f32 from vector<1xf32>
      %slice3A_821 = vector.extract_strided_slice %get3A_820 {offsets = [1], sizes = [1], strides = [1]} : vector<16xf32> to vector<1xf32>
      %squeeze3A_822 = vector.extract %slice3A_821[0] : f32 from vector<1xf32>
      %slice3A_823 = vector.extract_strided_slice %get3A_820 {offsets = [2], sizes = [1], strides = [1]} : vector<16xf32> to vector<1xf32>
      %squeeze3A_824 = vector.extract %slice3A_823[0] : f32 from vector<1xf32>
      %slice3A_825 = vector.extract_strided_slice %get3A_820 {offsets = [3], sizes = [1], strides = [1]} : vector<16xf32> to vector<1xf32>
      %squeeze3A_826 = vector.extract %slice3A_825[0] : f32 from vector<1xf32>
      %slice3A_827 = vector.extract_strided_slice %get3A_820 {offsets = [4], sizes = [1], strides = [1]} : vector<16xf32> to vector<1xf32>
      %squeeze3A_828 = vector.extract %slice3A_827[0] : f32 from vector<1xf32>
      %slice3A_829 = vector.extract_strided_slice %get3A_820 {offsets = [5], sizes = [1], strides = [1]} : vector<16xf32> to vector<1xf32>
      %squeeze3A_830 = vector.extract %slice3A_829[0] : f32 from vector<1xf32>
      %slice3A_831 = vector.extract_strided_slice %get3A_820 {offsets = [6], sizes = [1], strides = [1]} : vector<16xf32> to vector<1xf32>
      %squeeze3A_832 = vector.extract %slice3A_831[0] : f32 from vector<1xf32>
      %slice3A_833 = vector.extract_strided_slice %get3A_820 {offsets = [7], sizes = [1], strides = [1]} : vector<16xf32> to vector<1xf32>
      %squeeze3A_834 = vector.extract %slice3A_833[0] : f32 from vector<1xf32>
      %slice3A_835 = vector.extract_strided_slice %get3A_820 {offsets = [8], sizes = [1], strides = [1]} : vector<16xf32> to vector<1xf32>
      %squeeze3A_836 = vector.extract %slice3A_835[0] : f32 from vector<1xf32>
      %slice3A_837 = vector.extract_strided_slice %get3A_820 {offsets = [9], sizes = [1], strides = [1]} : vector<16xf32> to vector<1xf32>
      %squeeze3A_838 = vector.extract %slice3A_837[0] : f32 from vector<1xf32>
      %slice3A_839 = vector.extract_strided_slice %get3A_820 {offsets = [10], sizes = [1], strides = [1]} : vector<16xf32> to vector<1xf32>
      %squeeze3A_840 = vector.extract %slice3A_839[0] : f32 from vector<1xf32>
      %slice3A_841 = vector.extract_strided_slice %get3A_820 {offsets = [11], sizes = [1], strides = [1]} : vector<16xf32> to vector<1xf32>
      %squeeze3A_842 = vector.extract %slice3A_841[0] : f32 from vector<1xf32>
      %slice3A_843 = vector.extract_strided_slice %get3A_820 {offsets = [12], sizes = [1], strides = [1]} : vector<16xf32> to vector<1xf32>
      %squeeze3A_844 = vector.extract %slice3A_843[0] : f32 from vector<1xf32>
      %slice3A_845 = vector.extract_strided_slice %get3A_820 {offsets = [13], sizes = [1], strides = [1]} : vector<16xf32> to vector<1xf32>
      %squeeze3A_846 = vector.extract %slice3A_845[0] : f32 from vector<1xf32>
      %slice3A_847 = vector.extract_strided_slice %get3A_820 {offsets = [14], sizes = [1], strides = [1]} : vector<16xf32> to vector<1xf32>
      %squeeze3A_848 = vector.extract %slice3A_847[0] : f32 from vector<1xf32>
      %slice3A_849 = vector.extract_strided_slice %get3A_820 {offsets = [15], sizes = [1], strides = [1]} : vector<16xf32> to vector<1xf32>
      %squeeze3A_850 = vector.extract %slice3A_849[0] : f32 from vector<1xf32>
      %get3A_851 = arith.constant 16 : index
      %get3A_852 = tpu.vector_load %arg12[%get3A_851] {strides = array<i32>} : memref<64xf32, #tpu.memory_space<vmem>>, vector<16xf32>,
      %get3A_853 = vector.shape_cast %get3A_852 : vector<16xf32> to vector<16xf32>
      %slice3A_854 = vector.extract_strided_slice %get3A_853 {offsets = [0], sizes = [1], strides = [1]} : vector<16xf32> to vector<1xf32>
      %squeeze3A_855 = vector.extract %slice3A_854[0] : f32 from vector<1xf32>
      %slice3A_856 = vector.extract_strided_slice %get3A_853 {offsets = [1], sizes = [1], strides = [1]} : vector<16xf32> to vector<1xf32>
      %squeeze3A_857 = vector.extract %slice3A_856[0] : f32 from vector<1xf32>
      %slice3A_858 = vector.extract_strided_slice %get3A_853 {offsets = [2], sizes = [1], strides = [1]} : vector<16xf32> to vector<1xf32>
      %squeeze3A_859 = vector.extract %slice3A_858[0] : f32 from vector<1xf32>
      %slice3A_860 = vector.extract_strided_slice %get3A_853 {offsets = [3], sizes = [1], strides = [1]} : vector<16xf32> to vector<1xf32>
      %squeeze3A_861 = vector.extract %slice3A_860[0] : f32 from vector<1xf32>
      %slice3A_862 = vector.extract_strided_slice %get3A_853 {offsets = [4], sizes = [1], strides = [1]} : vector<16xf32> to vector<1xf32>
      %squeeze3A_863 = vector.extract %slice3A_862[0] : f32 from vector<1xf32>
      %slice3A_864 = vector.extract_strided_slice %get3A_853 {offsets = [5], sizes = [1], strides = [1]} : vector<16xf32> to vector<1xf32>
      %squeeze3A_865 = vector.extract %slice3A_864[0] : f32 from vector<1xf32>
      %slice3A_866 = vector.extract_strided_slice %get3A_853 {offsets = [6], sizes = [1], strides = [1]} : vector<16xf32> to vector<1xf32>
      %squeeze3A_867 = vector.extract %slice3A_866[0] : f32 from vector<1xf32>
      %slice3A_868 = vector.extract_strided_slice %get3A_853 {offsets = [7], sizes = [1], strides = [1]} : vector<16xf32> to vector<1xf32>
      %squeeze3A_869 = vector.extract %slice3A_868[0] : f32 from vector<1xf32>
      %slice3A_870 = vector.extract_strided_slice %get3A_853 {offsets = [8], sizes = [1], strides = [1]} : vector<16xf32> to vector<1xf32>
      %squeeze3A_871 = vector.extract %slice3A_870[0] : f32 from vector<1xf32>
      %slice3A_872 = vector.extract_strided_slice %get3A_853 {offsets = [9], sizes = [1], strides = [1]} : vector<16xf32> to vector<1xf32>
      %squeeze3A_873 = vector.extract %slice3A_872[0] : f32 from vector<1xf32>
      %slice3A_874 = vector.extract_strided_slice %get3A_853 {offsets = [10], sizes = [1], strides = [1]} : vector<16xf32> to vector<1xf32>
      %squeeze3A_875 = vector.extract %slice3A_874[0] : f32 from vector<1xf32>
      %slice3A_876 = vector.extract_strided_slice %get3A_853 {offsets = [11], sizes = [1], strides = [1]} : vector<16xf32> to vector<1xf32>
      %squeeze3A_877 = vector.extract %slice3A_876[0] : f32 from vector<1xf32>
      %slice3A_878 = vector.extract_strided_slice %get3A_853 {offsets = [12], sizes = [1], strides = [1]} : vector<16xf32> to vector<1xf32>
      %squeeze3A_879 = vector.extract %slice3A_878[0] : f32 from vector<1xf32>
      %slice3A_880 = vector.extract_strided_slice %get3A_853 {offsets = [13], sizes = [1], strides = [1]} : vector<16xf32> to vector<1xf32>
      %squeeze3A_881 = vector.extract %slice3A_880[0] : f32 from vector<1xf32>
      %slice3A_882 = vector.extract_strided_slice %get3A_853 {offsets = [14], sizes = [1], strides = [1]} : vector<16xf32> to vector<1xf32>
      %squeeze3A_883 = vector.extract %slice3A_882[0] : f32 from vector<1xf32>
      %slice3A_884 = vector.extract_strided_slice %get3A_853 {offsets = [15], sizes = [1], strides = [1]} : vector<16xf32> to vector<1xf32>
      %squeeze3A_885 = vector.extract %slice3A_884[0] : f32 from vector<1xf32>
      %get3A_886 = arith.constant 32 : index
      %get3A_887 = tpu.vector_load %arg12[%get3A_886] {strides = array<i32>} : memref<64xf32, #tpu.memory_space<vmem>>, vector<16xf32>,
      %get3A_888 = vector.shape_cast %get3A_887 : vector<16xf32> to vector<16xf32>
      %slice3A_889 = vector.extract_strided_slice %get3A_888 {offsets = [0], sizes = [1], strides = [1]} : vector<16xf32> to vector<1xf32>
      %squeeze3A_890 = vector.extract %slice3A_889[0] : f32 from vector<1xf32>
      %slice3A_891 = vector.extract_strided_slice %get3A_888 {offsets = [1], sizes = [1], strides = [1]} : vector<16xf32> to vector<1xf32>
      %squeeze3A_892 = vector.extract %slice3A_891[0] : f32 from vector<1xf32>
      %slice3A_893 = vector.extract_strided_slice %get3A_888 {offsets = [2], sizes = [1], strides = [1]} : vector<16xf32> to vector<1xf32>
      %squeeze3A_894 = vector.extract %slice3A_893[0] : f32 from vector<1xf32>
      %slice3A_895 = vector.extract_strided_slice %get3A_888 {offsets = [3], sizes = [1], strides = [1]} : vector<16xf32> to vector<1xf32>
      %squeeze3A_896 = vector.extract %slice3A_895[0] : f32 from vector<1xf32>
      %slice3A_897 = vector.extract_strided_slice %get3A_888 {offsets = [4], sizes = [1], strides = [1]} : vector<16xf32> to vector<1xf32>
      %squeeze3A_898 = vector.extract %slice3A_897[0] : f32 from vector<1xf32>
      %slice3A_899 = vector.extract_strided_slice %get3A_888 {offsets = [5], sizes = [1], strides = [1]} : vector<16xf32> to vector<1xf32>
      %squeeze3A_900 = vector.extract %slice3A_899[0] : f32 from vector<1xf32>
      %slice3A_901 = vector.extract_strided_slice %get3A_888 {offsets = [6], sizes = [1], strides = [1]} : vector<16xf32> to vector<1xf32>
      %squeeze3A_902 = vector.extract %slice3A_901[0] : f32 from vector<1xf32>
      %slice3A_903 = vector.extract_strided_slice %get3A_888 {offsets = [7], sizes = [1], strides = [1]} : vector<16xf32> to vector<1xf32>
      %squeeze3A_904 = vector.extract %slice3A_903[0] : f32 from vector<1xf32>
      %slice3A_905 = vector.extract_strided_slice %get3A_888 {offsets = [8], sizes = [1], strides = [1]} : vector<16xf32> to vector<1xf32>
      %squeeze3A_906 = vector.extract %slice3A_905[0] : f32 from vector<1xf32>
      %slice3A_907 = vector.extract_strided_slice %get3A_888 {offsets = [9], sizes = [1], strides = [1]} : vector<16xf32> to vector<1xf32>
      %squeeze3A_908 = vector.extract %slice3A_907[0] : f32 from vector<1xf32>
      %slice3A_909 = vector.extract_strided_slice %get3A_888 {offsets = [10], sizes = [1], strides = [1]} : vector<16xf32> to vector<1xf32>
      %squeeze3A_910 = vector.extract %slice3A_909[0] : f32 from vector<1xf32>
      %slice3A_911 = vector.extract_strided_slice %get3A_888 {offsets = [11], sizes = [1], strides = [1]} : vector<16xf32> to vector<1xf32>
      %squeeze3A_912 = vector.extract %slice3A_911[0] : f32 from vector<1xf32>
      %slice3A_913 = vector.extract_strided_slice %get3A_888 {offsets = [12], sizes = [1], strides = [1]} : vector<16xf32> to vector<1xf32>
      %squeeze3A_914 = vector.extract %slice3A_913[0] : f32 from vector<1xf32>
      %slice3A_915 = vector.extract_strided_slice %get3A_888 {offsets = [13], sizes = [1], strides = [1]} : vector<16xf32> to vector<1xf32>
      %squeeze3A_916 = vector.extract %slice3A_915[0] : f32 from vector<1xf32>
      %slice3A_917 = vector.extract_strided_slice %get3A_888 {offsets = [14], sizes = [1], strides = [1]} : vector<16xf32> to vector<1xf32>
      %squeeze3A_918 = vector.extract %slice3A_917[0] : f32 from vector<1xf32>
      %slice3A_919 = vector.extract_strided_slice %get3A_888 {offsets = [15], sizes = [1], strides = [1]} : vector<16xf32> to vector<1xf32>
      %squeeze3A_920 = vector.extract %slice3A_919[0] : f32 from vector<1xf32>
      %get3A_921 = arith.constant 48 : index
      %get3A_922 = tpu.vector_load %arg12[%get3A_921] {strides = array<i32>} : memref<64xf32, #tpu.memory_space<vmem>>, vector<16xf32>,
      %get3A_923 = vector.shape_cast %get3A_922 : vector<16xf32> to vector<16xf32>
      %slice3A_924 = vector.extract_strided_slice %get3A_923 {offsets = [0], sizes = [1], strides = [1]} : vector<16xf32> to vector<1xf32>
      %squeeze3A_925 = vector.extract %slice3A_924[0] : f32 from vector<1xf32>
      %slice3A_926 = vector.extract_strided_slice %get3A_923 {offsets = [1], sizes = [1], strides = [1]} : vector<16xf32> to vector<1xf32>
      %squeeze3A_927 = vector.extract %slice3A_926[0] : f32 from vector<1xf32>
      %slice3A_928 = vector.extract_strided_slice %get3A_923 {offsets = [2], sizes = [1], strides = [1]} : vector<16xf32> to vector<1xf32>
      %squeeze3A_929 = vector.extract %slice3A_928[0] : f32 from vector<1xf32>
      %slice3A_930 = vector.extract_strided_slice %get3A_923 {offsets = [3], sizes = [1], strides = [1]} : vector<16xf32> to vector<1xf32>
      %squeeze3A_931 = vector.extract %slice3A_930[0] : f32 from vector<1xf32>
      %slice3A_932 = vector.extract_strided_slice %get3A_923 {offsets = [4], sizes = [1], strides = [1]} : vector<16xf32> to vector<1xf32>
      %squeeze3A_933 = vector.extract %slice3A_932[0] : f32 from vector<1xf32>
      %slice3A_934 = vector.extract_strided_slice %get3A_923 {offsets = [5], sizes = [1], strides = [1]} : vector<16xf32> to vector<1xf32>
      %squeeze3A_935 = vector.extract %slice3A_934[0] : f32 from vector<1xf32>
      %slice3A_936 = vector.extract_strided_slice %get3A_923 {offsets = [6], sizes = [1], strides = [1]} : vector<16xf32> to vector<1xf32>
      %squeeze3A_937 = vector.extract %slice3A_936[0] : f32 from vector<1xf32>
      %slice3A_938 = vector.extract_strided_slice %get3A_923 {offsets = [7], sizes = [1], strides = [1]} : vector<16xf32> to vector<1xf32>
      %squeeze3A_939 = vector.extract %slice3A_938[0] : f32 from vector<1xf32>
      %slice3A_940 = vector.extract_strided_slice %get3A_923 {offsets = [8], sizes = [1], strides = [1]} : vector<16xf32> to vector<1xf32>
      %squeeze3A_941 = vector.extract %slice3A_940[0] : f32 from vector<1xf32>
      %slice3A_942 = vector.extract_strided_slice %get3A_923 {offsets = [9], sizes = [1], strides = [1]} : vector<16xf32> to vector<1xf32>
      %squeeze3A_943 = vector.extract %slice3A_942[0] : f32 from vector<1xf32>
      %slice3A_944 = vector.extract_strided_slice %get3A_923 {offsets = [10], sizes = [1], strides = [1]} : vector<16xf32> to vector<1xf32>
      %squeeze3A_945 = vector.extract %slice3A_944[0] : f32 from vector<1xf32>
      %slice3A_946 = vector.extract_strided_slice %get3A_923 {offsets = [11], sizes = [1], strides = [1]} : vector<16xf32> to vector<1xf32>
      %squeeze3A_947 = vector.extract %slice3A_946[0] : f32 from vector<1xf32>
      %slice3A_948 = vector.extract_strided_slice %get3A_923 {offsets = [12], sizes = [1], strides = [1]} : vector<16xf32> to vector<1xf32>
      %squeeze3A_949 = vector.extract %slice3A_948[0] : f32 from vector<1xf32>
      %slice3A_950 = vector.extract_strided_slice %get3A_923 {offsets = [13], sizes = [1], strides = [1]} : vector<16xf32> to vector<1xf32>
      %squeeze3A_951 = vector.extract %slice3A_950[0] : f32 from vector<1xf32>
      %slice3A_952 = vector.extract_strided_slice %get3A_923 {offsets = [14], sizes = [1], strides = [1]} : vector<16xf32> to vector<1xf32>
      %squeeze3A_953 = vector.extract %slice3A_952[0] : f32 from vector<1xf32>
      %slice3A_954 = vector.extract_strided_slice %get3A_923 {offsets = [15], sizes = [1], strides = [1]} : vector<16xf32> to vector<1xf32>
      %squeeze3A_955 = vector.extract %slice3A_954[0] : f32 from vector<1xf32>
      %add3A_956 = arith.constant 0.000000e+00 : f32
      %add3A_957 = arith.addf %add3A_956, %squeeze3A : f32
      %add3A_958 = arith.addf %add3A_957, %squeeze3A_822 : f32
      %add3A_959 = arith.addf %add3A_958, %squeeze3A_824 : f32
      %add3A_960 = arith.addf %add3A_959, %squeeze3A_826 : f32
      %add3A_961 = arith.addf %add3A_960, %squeeze3A_828 : f32
      %add3A_962 = arith.addf %add3A_961, %squeeze3A_830 : f32
      %add3A_963 = arith.addf %add3A_962, %squeeze3A_832 : f32
      %add3A_964 = arith.addf %add3A_963, %squeeze3A_834 : f32
      %add3A_965 = arith.addf %add3A_964, %squeeze3A_836 : f32
      %add3A_966 = arith.addf %add3A_965, %squeeze3A_838 : f32
      %add3A_967 = arith.addf %add3A_966, %squeeze3A_840 : f32
      %add3A_968 = arith.addf %add3A_967, %squeeze3A_842 : f32
      %add3A_969 = arith.addf %add3A_968, %squeeze3A_844 : f32
      %add3A_970 = arith.addf %add3A_969, %squeeze3A_846 : f32
      %add3A_971 = arith.addf %add3A_970, %squeeze3A_848 : f32
      %add3A_972 = arith.addf %add3A_971, %squeeze3A_850 : f32
      %add3A_973 = arith.addf %add3A_972, %squeeze3A_855 : f32
      %add3A_974 = arith.addf %add3A_973, %squeeze3A_857 : f32
      %add3A_975 = arith.addf %add3A_974, %squeeze3A_859 : f32
      %add3A_976 = arith.addf %add3A_975, %squeeze3A_861 : f32
      %add3A_977 = arith.addf %add3A_976, %squeeze3A_863 : f32
      %add3A_978 = arith.addf %add3A_977, %squeeze3A_865 : f32
      %add3A_979 = arith.addf %add3A_978, %squeeze3A_867 : f32
      %add3A_980 = arith.addf %add3A_979, %squeeze3A_869 : f32
      %add3A_981 = arith.addf %add3A_980, %squeeze3A_871 : f32
      %add3A_982 = arith.addf %add3A_981, %squeeze3A_873 : f32
      %add3A_983 = arith.addf %add3A_982, %squeeze3A_875 : f32
      %add3A_984 = arith.addf %add3A_983, %squeeze3A_877 : f32
      %add3A_985 = arith.addf %add3A_984, %squeeze3A_879 : f32
      %add3A_986 = arith.addf %add3A_985, %squeeze3A_881 : f32
      %add3A_987 = arith.addf %add3A_986, %squeeze3A_883 : f32
      %add3A_988 = arith.addf %add3A_987, %squeeze3A_885 : f32
      %add3A_989 = arith.addf %add3A_988, %squeeze3A_890 : f32
      %add3A_990 = arith.addf %add3A_989, %squeeze3A_892 : f32
      %add3A_991 = arith.addf %add3A_990, %squeeze3A_894 : f32
      %add3A_992 = arith.addf %add3A_991, %squeeze3A_896 : f32
      %add3A_993 = arith.addf %add3A_992, %squeeze3A_898 : f32
      %add3A_994 = arith.addf %add3A_993, %squeeze3A_900 : f32
      %add3A_995 = arith.addf %add3A_994, %squeeze3A_902 : f32
      %add3A_996 = arith.addf %add3A_995, %squeeze3A_904 : f32
      %add3A_997 = arith.addf %add3A_996, %squeeze3A_906 : f32
      %add3A_998 = arith.addf %add3A_997, %squeeze3A_908 : f32
      %add3A_999 = arith.addf %add3A_998, %squeeze3A_910 : f32
      %add3A_1000 = arith.addf %add3A_999, %squeeze3A_912 : f32
      %add3A_1001 = arith.addf %add3A_1000, %squeeze3A_914 : f32
      %add3A_1002 = arith.addf %add3A_1001, %squeeze3A_916 : f32
      %add3A_1003 = arith.addf %add3A_1002, %squeeze3A_918 : f32
      %add3A_1004 = arith.addf %add3A_1003, %squeeze3A_920 : f32
      %add3A_1005 = arith.addf %add3A_1004, %squeeze3A_925 : f32
      %add3A_1006 = arith.addf %add3A_1005, %squeeze3A_927 : f32
      %add3A_1007 = arith.addf %add3A_1006, %squeeze3A_929 : f32
      %add3A_1008 = arith.addf %add3A_1007, %squeeze3A_931 : f32
      %add3A_1009 = arith.addf %add3A_1008, %squeeze3A_933 : f32
      %add3A_1010 = arith.addf %add3A_1009, %squeeze3A_935 : f32
      %add3A_1011 = arith.addf %add3A_1010, %squeeze3A_937 : f32
      %add3A_1012 = arith.addf %add3A_1011, %squeeze3A_939 : f32
      %add3A_1013 = arith.addf %add3A_1012, %squeeze3A_941 : f32
      %add3A_1014 = arith.addf %add3A_1013, %squeeze3A_943 : f32
      %add3A_1015 = arith.addf %add3A_1014, %squeeze3A_945 : f32
      %add3A_1016 = arith.addf %add3A_1015, %squeeze3A_947 : f32
      %add3A_1017 = arith.addf %add3A_1016, %squeeze3A_949 : f32
      %add3A_1018 = arith.addf %add3A_1017, %squeeze3A_951 : f32
      %add3A_1019 = arith.addf %add3A_1018, %squeeze3A_953 : f32
      %add3A_1020 = arith.addf %add3A_1019, %squeeze3A_955 : f32
      %get3A_1021 = arith.constant 0 : index
      %get3A_1022 = tpu.vector_load %arg13[%get3A_1021] {strides = array<i32>} : memref<16xf32, #tpu.memory_space<vmem>>, vector<16xf32>,
      %get3A_1023 = vector.shape_cast %get3A_1022 : vector<16xf32> to vector<16xf32>
      %slice3A_1024 = vector.extract_strided_slice %get3A_1023 {offsets = [0], sizes = [1], strides = [1]} : vector<16xf32> to vector<1xf32>
      %squeeze3A_1025 = vector.extract %slice3A_1024[0] : f32 from vector<1xf32>
      %mul3A_1026 = arith.mulf %squeeze3A_1025, %add3A_1020 : f32
      %add3A_1027 = arith.constant 0.000000e+00 : f32
      %add3A_1028 = arith.addf %add3A_1027, %squeeze3A : f32
      %lt3A_1029 = arith.cmpf olt, %add3A_1028, %mul3A_1026 : f32
      %jit3A = arith.constant 1 : i32
      %jit3A_1030 = arith.constant 0 : i32
      %select_n3A_1031 = arith.select %lt3A_1029, %jit3A, %jit3A_1030 : i32
      %add3A_1032 = arith.constant 0 : i32
      %add3A_1033 = arith.addi %add3A_1032, %select_n3A_1031 : i32
      %add3A_1034 = arith.addf %add3A_1028, %squeeze3A_822 : f32
      %lt3A_1035 = arith.cmpf olt, %add3A_1034, %mul3A_1026 : f32
      %jit3A_1036 = arith.constant 1 : i32
      %jit3A_1037 = arith.constant 0 : i32
      %select_n3A_1038 = arith.select %lt3A_1035, %jit3A_1036, %jit3A_1037 : i32
      %add3A_1039 = arith.addi %add3A_1033, %select_n3A_1038 : i32
      %add3A_1040 = arith.addf %add3A_1034, %squeeze3A_824 : f32
      %lt3A_1041 = arith.cmpf olt, %add3A_1040, %mul3A_1026 : f32
      %jit3A_1042 = arith.constant 1 : i32
      %jit3A_1043 = arith.constant 0 : i32
      %select_n3A_1044 = arith.select %lt3A_1041, %jit3A_1042, %jit3A_1043 : i32
      %add3A_1045 = arith.addi %add3A_1039, %select_n3A_1044 : i32
      %add3A_1046 = arith.addf %add3A_1040, %squeeze3A_826 : f32
      %lt3A_1047 = arith.cmpf olt, %add3A_1046, %mul3A_1026 : f32
      %jit3A_1048 = arith.constant 1 : i32
      %jit3A_1049 = arith.constant 0 : i32
      %select_n3A_1050 = arith.select %lt3A_1047, %jit3A_1048, %jit3A_1049 : i32
      %add3A_1051 = arith.addi %add3A_1045, %select_n3A_1050 : i32
      %add3A_1052 = arith.addf %add3A_1046, %squeeze3A_828 : f32
      %lt3A_1053 = arith.cmpf olt, %add3A_1052, %mul3A_1026 : f32
      %jit3A_1054 = arith.constant 1 : i32
      %jit3A_1055 = arith.constant 0 : i32
      %select_n3A_1056 = arith.select %lt3A_1053, %jit3A_1054, %jit3A_1055 : i32
      %add3A_1057 = arith.addi %add3A_1051, %select_n3A_1056 : i32
      %add3A_1058 = arith.addf %add3A_1052, %squeeze3A_830 : f32
      %lt3A_1059 = arith.cmpf olt, %add3A_1058, %mul3A_1026 : f32
      %jit3A_1060 = arith.constant 1 : i32
      %jit3A_1061 = arith.constant 0 : i32
      %select_n3A_1062 = arith.select %lt3A_1059, %jit3A_1060, %jit3A_1061 : i32
      %add3A_1063 = arith.addi %add3A_1057, %select_n3A_1062 : i32
      %add3A_1064 = arith.addf %add3A_1058, %squeeze3A_832 : f32
      %lt3A_1065 = arith.cmpf olt, %add3A_1064, %mul3A_1026 : f32
      %jit3A_1066 = arith.constant 1 : i32
      %jit3A_1067 = arith.constant 0 : i32
      %select_n3A_1068 = arith.select %lt3A_1065, %jit3A_1066, %jit3A_1067 : i32
      %add3A_1069 = arith.addi %add3A_1063, %select_n3A_1068 : i32
      %add3A_1070 = arith.addf %add3A_1064, %squeeze3A_834 : f32
      %lt3A_1071 = arith.cmpf olt, %add3A_1070, %mul3A_1026 : f32
      %jit3A_1072 = arith.constant 1 : i32
      %jit3A_1073 = arith.constant 0 : i32
      %select_n3A_1074 = arith.select %lt3A_1071, %jit3A_1072, %jit3A_1073 : i32
      %add3A_1075 = arith.addi %add3A_1069, %select_n3A_1074 : i32
      %add3A_1076 = arith.addf %add3A_1070, %squeeze3A_836 : f32
      %lt3A_1077 = arith.cmpf olt, %add3A_1076, %mul3A_1026 : f32
      %jit3A_1078 = arith.constant 1 : i32
      %jit3A_1079 = arith.constant 0 : i32
      %select_n3A_1080 = arith.select %lt3A_1077, %jit3A_1078, %jit3A_1079 : i32
      %add3A_1081 = arith.addi %add3A_1075, %select_n3A_1080 : i32
      %add3A_1082 = arith.addf %add3A_1076, %squeeze3A_838 : f32
      %lt3A_1083 = arith.cmpf olt, %add3A_1082, %mul3A_1026 : f32
      %jit3A_1084 = arith.constant 1 : i32
      %jit3A_1085 = arith.constant 0 : i32
      %select_n3A_1086 = arith.select %lt3A_1083, %jit3A_1084, %jit3A_1085 : i32
      %add3A_1087 = arith.addi %add3A_1081, %select_n3A_1086 : i32
      %add3A_1088 = arith.addf %add3A_1082, %squeeze3A_840 : f32
      %lt3A_1089 = arith.cmpf olt, %add3A_1088, %mul3A_1026 : f32
      %jit3A_1090 = arith.constant 1 : i32
      %jit3A_1091 = arith.constant 0 : i32
      %select_n3A_1092 = arith.select %lt3A_1089, %jit3A_1090, %jit3A_1091 : i32
      %add3A_1093 = arith.addi %add3A_1087, %select_n3A_1092 : i32
      %add3A_1094 = arith.addf %add3A_1088, %squeeze3A_842 : f32
      %lt3A_1095 = arith.cmpf olt, %add3A_1094, %mul3A_1026 : f32
      %jit3A_1096 = arith.constant 1 : i32
      %jit3A_1097 = arith.constant 0 : i32
      %select_n3A_1098 = arith.select %lt3A_1095, %jit3A_1096, %jit3A_1097 : i32
      %add3A_1099 = arith.addi %add3A_1093, %select_n3A_1098 : i32
      %add3A_1100 = arith.addf %add3A_1094, %squeeze3A_844 : f32
      %lt3A_1101 = arith.cmpf olt, %add3A_1100, %mul3A_1026 : f32
      %jit3A_1102 = arith.constant 1 : i32
      %jit3A_1103 = arith.constant 0 : i32
      %select_n3A_1104 = arith.select %lt3A_1101, %jit3A_1102, %jit3A_1103 : i32
      %add3A_1105 = arith.addi %add3A_1099, %select_n3A_1104 : i32
      %add3A_1106 = arith.addf %add3A_1100, %squeeze3A_846 : f32
      %lt3A_1107 = arith.cmpf olt, %add3A_1106, %mul3A_1026 : f32
      %jit3A_1108 = arith.constant 1 : i32
      %jit3A_1109 = arith.constant 0 : i32
      %select_n3A_1110 = arith.select %lt3A_1107, %jit3A_1108, %jit3A_1109 : i32
      %add3A_1111 = arith.addi %add3A_1105, %select_n3A_1110 : i32
      %add3A_1112 = arith.addf %add3A_1106, %squeeze3A_848 : f32
      %lt3A_1113 = arith.cmpf olt, %add3A_1112, %mul3A_1026 : f32
      %jit3A_1114 = arith.constant 1 : i32
      %jit3A_1115 = arith.constant 0 : i32
      %select_n3A_1116 = arith.select %lt3A_1113, %jit3A_1114, %jit3A_1115 : i32
      %add3A_1117 = arith.addi %add3A_1111, %select_n3A_1116 : i32
      %add3A_1118 = arith.addf %add3A_1112, %squeeze3A_850 : f32
      %lt3A_1119 = arith.cmpf olt, %add3A_1118, %mul3A_1026 : f32
      %jit3A_1120 = arith.constant 1 : i32
      %jit3A_1121 = arith.constant 0 : i32
      %select_n3A_1122 = arith.select %lt3A_1119, %jit3A_1120, %jit3A_1121 : i32
      %add3A_1123 = arith.addi %add3A_1117, %select_n3A_1122 : i32
      %add3A_1124 = arith.addf %add3A_1118, %squeeze3A_855 : f32
      %lt3A_1125 = arith.cmpf olt, %add3A_1124, %mul3A_1026 : f32
      %jit3A_1126 = arith.constant 1 : i32
      %jit3A_1127 = arith.constant 0 : i32
      %select_n3A_1128 = arith.select %lt3A_1125, %jit3A_1126, %jit3A_1127 : i32
      %add3A_1129 = arith.addi %add3A_1123, %select_n3A_1128 : i32
      %add3A_1130 = arith.addf %add3A_1124, %squeeze3A_857 : f32
      %lt3A_1131 = arith.cmpf olt, %add3A_1130, %mul3A_1026 : f32
      %jit3A_1132 = arith.constant 1 : i32
      %jit3A_1133 = arith.constant 0 : i32
      %select_n3A_1134 = arith.select %lt3A_1131, %jit3A_1132, %jit3A_1133 : i32
      %add3A_1135 = arith.addi %add3A_1129, %select_n3A_1134 : i32
      %add3A_1136 = arith.addf %add3A_1130, %squeeze3A_859 : f32
      %lt3A_1137 = arith.cmpf olt, %add3A_1136, %mul3A_1026 : f32
      %jit3A_1138 = arith.constant 1 : i32
      %jit3A_1139 = arith.constant 0 : i32
      %select_n3A_1140 = arith.select %lt3A_1137, %jit3A_1138, %jit3A_1139 : i32
      %add3A_1141 = arith.addi %add3A_1135, %select_n3A_1140 : i32
      %add3A_1142 = arith.addf %add3A_1136, %squeeze3A_861 : f32
      %lt3A_1143 = arith.cmpf olt, %add3A_1142, %mul3A_1026 : f32
      %jit3A_1144 = arith.constant 1 : i32
      %jit3A_1145 = arith.constant 0 : i32
      %select_n3A_1146 = arith.select %lt3A_1143, %jit3A_1144, %jit3A_1145 : i32
      %add3A_1147 = arith.addi %add3A_1141, %select_n3A_1146 : i32
      %add3A_1148 = arith.addf %add3A_1142, %squeeze3A_863 : f32
      %lt3A_1149 = arith.cmpf olt, %add3A_1148, %mul3A_1026 : f32
      %jit3A_1150 = arith.constant 1 : i32
      %jit3A_1151 = arith.constant 0 : i32
      %select_n3A_1152 = arith.select %lt3A_1149, %jit3A_1150, %jit3A_1151 : i32
      %add3A_1153 = arith.addi %add3A_1147, %select_n3A_1152 : i32
      %add3A_1154 = arith.addf %add3A_1148, %squeeze3A_865 : f32
      %lt3A_1155 = arith.cmpf olt, %add3A_1154, %mul3A_1026 : f32
      %jit3A_1156 = arith.constant 1 : i32
      %jit3A_1157 = arith.constant 0 : i32
      %select_n3A_1158 = arith.select %lt3A_1155, %jit3A_1156, %jit3A_1157 : i32
      %add3A_1159 = arith.addi %add3A_1153, %select_n3A_1158 : i32
      %add3A_1160 = arith.addf %add3A_1154, %squeeze3A_867 : f32
      %lt3A_1161 = arith.cmpf olt, %add3A_1160, %mul3A_1026 : f32
      %jit3A_1162 = arith.constant 1 : i32
      %jit3A_1163 = arith.constant 0 : i32
      %select_n3A_1164 = arith.select %lt3A_1161, %jit3A_1162, %jit3A_1163 : i32
      %add3A_1165 = arith.addi %add3A_1159, %select_n3A_1164 : i32
      %add3A_1166 = arith.addf %add3A_1160, %squeeze3A_869 : f32
      %lt3A_1167 = arith.cmpf olt, %add3A_1166, %mul3A_1026 : f32
      %jit3A_1168 = arith.constant 1 : i32
      %jit3A_1169 = arith.constant 0 : i32
      %select_n3A_1170 = arith.select %lt3A_1167, %jit3A_1168, %jit3A_1169 : i32
      %add3A_1171 = arith.addi %add3A_1165, %select_n3A_1170 : i32
      %add3A_1172 = arith.addf %add3A_1166, %squeeze3A_871 : f32
      %lt3A_1173 = arith.cmpf olt, %add3A_1172, %mul3A_1026 : f32
      %jit3A_1174 = arith.constant 1 : i32
      %jit3A_1175 = arith.constant 0 : i32
      %select_n3A_1176 = arith.select %lt3A_1173, %jit3A_1174, %jit3A_1175 : i32
      %add3A_1177 = arith.addi %add3A_1171, %select_n3A_1176 : i32
      %add3A_1178 = arith.addf %add3A_1172, %squeeze3A_873 : f32
      %lt3A_1179 = arith.cmpf olt, %add3A_1178, %mul3A_1026 : f32
      %jit3A_1180 = arith.constant 1 : i32
      %jit3A_1181 = arith.constant 0 : i32
      %select_n3A_1182 = arith.select %lt3A_1179, %jit3A_1180, %jit3A_1181 : i32
      %add3A_1183 = arith.addi %add3A_1177, %select_n3A_1182 : i32
      %add3A_1184 = arith.addf %add3A_1178, %squeeze3A_875 : f32
      %lt3A_1185 = arith.cmpf olt, %add3A_1184, %mul3A_1026 : f32
      %jit3A_1186 = arith.constant 1 : i32
      %jit3A_1187 = arith.constant 0 : i32
      %select_n3A_1188 = arith.select %lt3A_1185, %jit3A_1186, %jit3A_1187 : i32
      %add3A_1189 = arith.addi %add3A_1183, %select_n3A_1188 : i32
      %add3A_1190 = arith.addf %add3A_1184, %squeeze3A_877 : f32
      %lt3A_1191 = arith.cmpf olt, %add3A_1190, %mul3A_1026 : f32
      %jit3A_1192 = arith.constant 1 : i32
      %jit3A_1193 = arith.constant 0 : i32
      %select_n3A_1194 = arith.select %lt3A_1191, %jit3A_1192, %jit3A_1193 : i32
      %add3A_1195 = arith.addi %add3A_1189, %select_n3A_1194 : i32
      %add3A_1196 = arith.addf %add3A_1190, %squeeze3A_879 : f32
      %lt3A_1197 = arith.cmpf olt, %add3A_1196, %mul3A_1026 : f32
      %jit3A_1198 = arith.constant 1 : i32
      %jit3A_1199 = arith.constant 0 : i32
      %select_n3A_1200 = arith.select %lt3A_1197, %jit3A_1198, %jit3A_1199 : i32
      %add3A_1201 = arith.addi %add3A_1195, %select_n3A_1200 : i32
      %add3A_1202 = arith.addf %add3A_1196, %squeeze3A_881 : f32
      %lt3A_1203 = arith.cmpf olt, %add3A_1202, %mul3A_1026 : f32
      %jit3A_1204 = arith.constant 1 : i32
      %jit3A_1205 = arith.constant 0 : i32
      %select_n3A_1206 = arith.select %lt3A_1203, %jit3A_1204, %jit3A_1205 : i32
      %add3A_1207 = arith.addi %add3A_1201, %select_n3A_1206 : i32
      %add3A_1208 = arith.addf %add3A_1202, %squeeze3A_883 : f32
      %lt3A_1209 = arith.cmpf olt, %add3A_1208, %mul3A_1026 : f32
      %jit3A_1210 = arith.constant 1 : i32
      %jit3A_1211 = arith.constant 0 : i32
      %select_n3A_1212 = arith.select %lt3A_1209, %jit3A_1210, %jit3A_1211 : i32
      %add3A_1213 = arith.addi %add3A_1207, %select_n3A_1212 : i32
      %add3A_1214 = arith.addf %add3A_1208, %squeeze3A_885 : f32
      %lt3A_1215 = arith.cmpf olt, %add3A_1214, %mul3A_1026 : f32
      %jit3A_1216 = arith.constant 1 : i32
      %jit3A_1217 = arith.constant 0 : i32
      %select_n3A_1218 = arith.select %lt3A_1215, %jit3A_1216, %jit3A_1217 : i32
      %add3A_1219 = arith.addi %add3A_1213, %select_n3A_1218 : i32
      %add3A_1220 = arith.addf %add3A_1214, %squeeze3A_890 : f32
      %lt3A_1221 = arith.cmpf olt, %add3A_1220, %mul3A_1026 : f32
      %jit3A_1222 = arith.constant 1 : i32
      %jit3A_1223 = arith.constant 0 : i32
      %select_n3A_1224 = arith.select %lt3A_1221, %jit3A_1222, %jit3A_1223 : i32
      %add3A_1225 = arith.addi %add3A_1219, %select_n3A_1224 : i32
      %add3A_1226 = arith.addf %add3A_1220, %squeeze3A_892 : f32
      %lt3A_1227 = arith.cmpf olt, %add3A_1226, %mul3A_1026 : f32
      %jit3A_1228 = arith.constant 1 : i32
      %jit3A_1229 = arith.constant 0 : i32
      %select_n3A_1230 = arith.select %lt3A_1227, %jit3A_1228, %jit3A_1229 : i32
      %add3A_1231 = arith.addi %add3A_1225, %select_n3A_1230 : i32
      %add3A_1232 = arith.addf %add3A_1226, %squeeze3A_894 : f32
      %lt3A_1233 = arith.cmpf olt, %add3A_1232, %mul3A_1026 : f32
      %jit3A_1234 = arith.constant 1 : i32
      %jit3A_1235 = arith.constant 0 : i32
      %select_n3A_1236 = arith.select %lt3A_1233, %jit3A_1234, %jit3A_1235 : i32
      %add3A_1237 = arith.addi %add3A_1231, %select_n3A_1236 : i32
      %add3A_1238 = arith.addf %add3A_1232, %squeeze3A_896 : f32
      %lt3A_1239 = arith.cmpf olt, %add3A_1238, %mul3A_1026 : f32
      %jit3A_1240 = arith.constant 1 : i32
      %jit3A_1241 = arith.constant 0 : i32
      %select_n3A_1242 = arith.select %lt3A_1239, %jit3A_1240, %jit3A_1241 : i32
      %add3A_1243 = arith.addi %add3A_1237, %select_n3A_1242 : i32
      %add3A_1244 = arith.addf %add3A_1238, %squeeze3A_898 : f32
      %lt3A_1245 = arith.cmpf olt, %add3A_1244, %mul3A_1026 : f32
      %jit3A_1246 = arith.constant 1 : i32
      %jit3A_1247 = arith.constant 0 : i32
      %select_n3A_1248 = arith.select %lt3A_1245, %jit3A_1246, %jit3A_1247 : i32
      %add3A_1249 = arith.addi %add3A_1243, %select_n3A_1248 : i32
      %add3A_1250 = arith.addf %add3A_1244, %squeeze3A_900 : f32
      %lt3A_1251 = arith.cmpf olt, %add3A_1250, %mul3A_1026 : f32
      %jit3A_1252 = arith.constant 1 : i32
      %jit3A_1253 = arith.constant 0 : i32
      %select_n3A_1254 = arith.select %lt3A_1251, %jit3A_1252, %jit3A_1253 : i32
      %add3A_1255 = arith.addi %add3A_1249, %select_n3A_1254 : i32
      %add3A_1256 = arith.addf %add3A_1250, %squeeze3A_902 : f32
      %lt3A_1257 = arith.cmpf olt, %add3A_1256, %mul3A_1026 : f32
      %jit3A_1258 = arith.constant 1 : i32
      %jit3A_1259 = arith.constant 0 : i32
      %select_n3A_1260 = arith.select %lt3A_1257, %jit3A_1258, %jit3A_1259 : i32
      %add3A_1261 = arith.addi %add3A_1255, %select_n3A_1260 : i32
      %add3A_1262 = arith.addf %add3A_1256, %squeeze3A_904 : f32
      %lt3A_1263 = arith.cmpf olt, %add3A_1262, %mul3A_1026 : f32
      %jit3A_1264 = arith.constant 1 : i32
      %jit3A_1265 = arith.constant 0 : i32
      %select_n3A_1266 = arith.select %lt3A_1263, %jit3A_1264, %jit3A_1265 : i32
      %add3A_1267 = arith.addi %add3A_1261, %select_n3A_1266 : i32
      %add3A_1268 = arith.addf %add3A_1262, %squeeze3A_906 : f32
      %lt3A_1269 = arith.cmpf olt, %add3A_1268, %mul3A_1026 : f32
      %jit3A_1270 = arith.constant 1 : i32
      %jit3A_1271 = arith.constant 0 : i32
      %select_n3A_1272 = arith.select %lt3A_1269, %jit3A_1270, %jit3A_1271 : i32
      %add3A_1273 = arith.addi %add3A_1267, %select_n3A_1272 : i32
      %add3A_1274 = arith.addf %add3A_1268, %squeeze3A_908 : f32
      %lt3A_1275 = arith.cmpf olt, %add3A_1274, %mul3A_1026 : f32
      %jit3A_1276 = arith.constant 1 : i32
      %jit3A_1277 = arith.constant 0 : i32
      %select_n3A_1278 = arith.select %lt3A_1275, %jit3A_1276, %jit3A_1277 : i32
      %add3A_1279 = arith.addi %add3A_1273, %select_n3A_1278 : i32
      %add3A_1280 = arith.addf %add3A_1274, %squeeze3A_910 : f32
      %lt3A_1281 = arith.cmpf olt, %add3A_1280, %mul3A_1026 : f32
      %jit3A_1282 = arith.constant 1 : i32
      %jit3A_1283 = arith.constant 0 : i32
      %select_n3A_1284 = arith.select %lt3A_1281, %jit3A_1282, %jit3A_1283 : i32
      %add3A_1285 = arith.addi %add3A_1279, %select_n3A_1284 : i32
      %add3A_1286 = arith.addf %add3A_1280, %squeeze3A_912 : f32
      %lt3A_1287 = arith.cmpf olt, %add3A_1286, %mul3A_1026 : f32
      %jit3A_1288 = arith.constant 1 : i32
      %jit3A_1289 = arith.constant 0 : i32
      %select_n3A_1290 = arith.select %lt3A_1287, %jit3A_1288, %jit3A_1289 : i32
      %add3A_1291 = arith.addi %add3A_1285, %select_n3A_1290 : i32
      %add3A_1292 = arith.addf %add3A_1286, %squeeze3A_914 : f32
      %lt3A_1293 = arith.cmpf olt, %add3A_1292, %mul3A_1026 : f32
      %jit3A_1294 = arith.constant 1 : i32
      %jit3A_1295 = arith.constant 0 : i32
      %select_n3A_1296 = arith.select %lt3A_1293, %jit3A_1294, %jit3A_1295 : i32
      %add3A_1297 = arith.addi %add3A_1291, %select_n3A_1296 : i32
      %add3A_1298 = arith.addf %add3A_1292, %squeeze3A_916 : f32
      %lt3A_1299 = arith.cmpf olt, %add3A_1298, %mul3A_1026 : f32
      %jit3A_1300 = arith.constant 1 : i32
      %jit3A_1301 = arith.constant 0 : i32
      %select_n3A_1302 = arith.select %lt3A_1299, %jit3A_1300, %jit3A_1301 : i32
      %add3A_1303 = arith.addi %add3A_1297, %select_n3A_1302 : i32
      %add3A_1304 = arith.addf %add3A_1298, %squeeze3A_918 : f32
      %lt3A_1305 = arith.cmpf olt, %add3A_1304, %mul3A_1026 : f32
      %jit3A_1306 = arith.constant 1 : i32
      %jit3A_1307 = arith.constant 0 : i32
      %select_n3A_1308 = arith.select %lt3A_1305, %jit3A_1306, %jit3A_1307 : i32
      %add3A_1309 = arith.addi %add3A_1303, %select_n3A_1308 : i32
      %add3A_1310 = arith.addf %add3A_1304, %squeeze3A_920 : f32
      %lt3A_1311 = arith.cmpf olt, %add3A_1310, %mul3A_1026 : f32
      %jit3A_1312 = arith.constant 1 : i32
      %jit3A_1313 = arith.constant 0 : i32
      %select_n3A_1314 = arith.select %lt3A_1311, %jit3A_1312, %jit3A_1313 : i32
      %add3A_1315 = arith.addi %add3A_1309, %select_n3A_1314 : i32
      %add3A_1316 = arith.addf %add3A_1310, %squeeze3A_925 : f32
      %lt3A_1317 = arith.cmpf olt, %add3A_1316, %mul3A_1026 : f32
      %jit3A_1318 = arith.constant 1 : i32
      %jit3A_1319 = arith.constant 0 : i32
      %select_n3A_1320 = arith.select %lt3A_1317, %jit3A_1318, %jit3A_1319 : i32
      %add3A_1321 = arith.addi %add3A_1315, %select_n3A_1320 : i32
      %add3A_1322 = arith.addf %add3A_1316, %squeeze3A_927 : f32
      %lt3A_1323 = arith.cmpf olt, %add3A_1322, %mul3A_1026 : f32
      %jit3A_1324 = arith.constant 1 : i32
      %jit3A_1325 = arith.constant 0 : i32
      %select_n3A_1326 = arith.select %lt3A_1323, %jit3A_1324, %jit3A_1325 : i32
      %add3A_1327 = arith.addi %add3A_1321, %select_n3A_1326 : i32
      %add3A_1328 = arith.addf %add3A_1322, %squeeze3A_929 : f32
      %lt3A_1329 = arith.cmpf olt, %add3A_1328, %mul3A_1026 : f32
      %jit3A_1330 = arith.constant 1 : i32
      %jit3A_1331 = arith.constant 0 : i32
      %select_n3A_1332 = arith.select %lt3A_1329, %jit3A_1330, %jit3A_1331 : i32
      %add3A_1333 = arith.addi %add3A_1327, %select_n3A_1332 : i32
      %add3A_1334 = arith.addf %add3A_1328, %squeeze3A_931 : f32
      %lt3A_1335 = arith.cmpf olt, %add3A_1334, %mul3A_1026 : f32
      %jit3A_1336 = arith.constant 1 : i32
      %jit3A_1337 = arith.constant 0 : i32
      %select_n3A_1338 = arith.select %lt3A_1335, %jit3A_1336, %jit3A_1337 : i32
      %add3A_1339 = arith.addi %add3A_1333, %select_n3A_1338 : i32
      %add3A_1340 = arith.addf %add3A_1334, %squeeze3A_933 : f32
      %lt3A_1341 = arith.cmpf olt, %add3A_1340, %mul3A_1026 : f32
      %jit3A_1342 = arith.constant 1 : i32
      %jit3A_1343 = arith.constant 0 : i32
      %select_n3A_1344 = arith.select %lt3A_1341, %jit3A_1342, %jit3A_1343 : i32
      %add3A_1345 = arith.addi %add3A_1339, %select_n3A_1344 : i32
      %add3A_1346 = arith.addf %add3A_1340, %squeeze3A_935 : f32
      %lt3A_1347 = arith.cmpf olt, %add3A_1346, %mul3A_1026 : f32
      %jit3A_1348 = arith.constant 1 : i32
      %jit3A_1349 = arith.constant 0 : i32
      %select_n3A_1350 = arith.select %lt3A_1347, %jit3A_1348, %jit3A_1349 : i32
      %add3A_1351 = arith.addi %add3A_1345, %select_n3A_1350 : i32
      %add3A_1352 = arith.addf %add3A_1346, %squeeze3A_937 : f32
      %lt3A_1353 = arith.cmpf olt, %add3A_1352, %mul3A_1026 : f32
      %jit3A_1354 = arith.constant 1 : i32
      %jit3A_1355 = arith.constant 0 : i32
      %select_n3A_1356 = arith.select %lt3A_1353, %jit3A_1354, %jit3A_1355 : i32
      %add3A_1357 = arith.addi %add3A_1351, %select_n3A_1356 : i32
      %add3A_1358 = arith.addf %add3A_1352, %squeeze3A_939 : f32
      %lt3A_1359 = arith.cmpf olt, %add3A_1358, %mul3A_1026 : f32
      %jit3A_1360 = arith.constant 1 : i32
      %jit3A_1361 = arith.constant 0 : i32
      %select_n3A_1362 = arith.select %lt3A_1359, %jit3A_1360, %jit3A_1361 : i32
      %add3A_1363 = arith.addi %add3A_1357, %select_n3A_1362 : i32
      %add3A_1364 = arith.addf %add3A_1358, %squeeze3A_941 : f32
      %lt3A_1365 = arith.cmpf olt, %add3A_1364, %mul3A_1026 : f32
      %jit3A_1366 = arith.constant 1 : i32
      %jit3A_1367 = arith.constant 0 : i32
      %select_n3A_1368 = arith.select %lt3A_1365, %jit3A_1366, %jit3A_1367 : i32
      %add3A_1369 = arith.addi %add3A_1363, %select_n3A_1368 : i32
      %add3A_1370 = arith.addf %add3A_1364, %squeeze3A_943 : f32
      %lt3A_1371 = arith.cmpf olt, %add3A_1370, %mul3A_1026 : f32
      %jit3A_1372 = arith.constant 1 : i32
      %jit3A_1373 = arith.constant 0 : i32
      %select_n3A_1374 = arith.select %lt3A_1371, %jit3A_1372, %jit3A_1373 : i32
      %add3A_1375 = arith.addi %add3A_1369, %select_n3A_1374 : i32
      %add3A_1376 = arith.addf %add3A_1370, %squeeze3A_945 : f32
      %lt3A_1377 = arith.cmpf olt, %add3A_1376, %mul3A_1026 : f32
      %jit3A_1378 = arith.constant 1 : i32
      %jit3A_1379 = arith.constant 0 : i32
      %select_n3A_1380 = arith.select %lt3A_1377, %jit3A_1378, %jit3A_1379 : i32
      %add3A_1381 = arith.addi %add3A_1375, %select_n3A_1380 : i32
      %add3A_1382 = arith.addf %add3A_1376, %squeeze3A_947 : f32
      %lt3A_1383 = arith.cmpf olt, %add3A_1382, %mul3A_1026 : f32
      %jit3A_1384 = arith.constant 1 : i32
      %jit3A_1385 = arith.constant 0 : i32
      %select_n3A_1386 = arith.select %lt3A_1383, %jit3A_1384, %jit3A_1385 : i32
      %add3A_1387 = arith.addi %add3A_1381, %select_n3A_1386 : i32
      %add3A_1388 = arith.addf %add3A_1382, %squeeze3A_949 : f32
      %lt3A_1389 = arith.cmpf olt, %add3A_1388, %mul3A_1026 : f32
      %jit3A_1390 = arith.constant 1 : i32
      %jit3A_1391 = arith.constant 0 : i32
      %select_n3A_1392 = arith.select %lt3A_1389, %jit3A_1390, %jit3A_1391 : i32
      %add3A_1393 = arith.addi %add3A_1387, %select_n3A_1392 : i32
      %add3A_1394 = arith.addf %add3A_1388, %squeeze3A_951 : f32
      %lt3A_1395 = arith.cmpf olt, %add3A_1394, %mul3A_1026 : f32
      %jit3A_1396 = arith.constant 1 : i32
      %jit3A_1397 = arith.constant 0 : i32
      %select_n3A_1398 = arith.select %lt3A_1395, %jit3A_1396, %jit3A_1397 : i32
      %add3A_1399 = arith.addi %add3A_1393, %select_n3A_1398 : i32
      %add3A_1400 = arith.addf %add3A_1394, %squeeze3A_953 : f32
      %lt3A_1401 = arith.cmpf olt, %add3A_1400, %mul3A_1026 : f32
      %jit3A_1402 = arith.constant 1 : i32
      %jit3A_1403 = arith.constant 0 : i32
      %select_n3A_1404 = arith.select %lt3A_1401, %jit3A_1402, %jit3A_1403 : i32
      %add3A_1405 = arith.addi %add3A_1399, %select_n3A_1404 : i32
      %add3A_1406 = arith.addf %add3A_1400, %squeeze3A_955 : f32
      %lt3A_1407 = arith.cmpf olt, %add3A_1406, %mul3A_1026 : f32
      %jit3A_1408 = arith.constant 1 : i32
      %jit3A_1409 = arith.constant 0 : i32
      %select_n3A_1410 = arith.select %lt3A_1407, %jit3A_1408, %jit3A_1409 : i32
      %add3A_1411 = arith.addi %add3A_1405, %select_n3A_1410 : i32
      %jit3A_1412 = arith.constant 8 : i32
      %div3A_1413 = arith.divsi %add3A_1411, %jit3A_1412 : i32
      %sign3A = arith.constant 0 : i32
      %sign3A_1414 = arith.cmpi sgt, %add3A_1411, %sign3A : i32
      %sign3A_1415 = arith.extui %sign3A_1414 : i1 to i32
      %sign3A_1416 = arith.constant 0 : i32
      %sign3A_1417 = arith.cmpi slt, %add3A_1411, %sign3A_1416 : i32
      %sign3A_1418 = arith.extui %sign3A_1417 : i1 to i32
      %sign3A_1419 = arith.subi %sign3A_1415, %sign3A_1418 : i32
      %sign3A_1420 = arith.constant 0 : i32
      %sign3A_1421 = arith.cmpi sgt, %jit3A_1412, %sign3A_1420 : i32
      %sign3A_1422 = arith.extui %sign3A_1421 : i1 to i32
      %sign3A_1423 = arith.constant 0 : i32
      %sign3A_1424 = arith.cmpi slt, %jit3A_1412, %sign3A_1423 : i32
      %sign3A_1425 = arith.extui %sign3A_1424 : i1 to i32
      %sign3A_1426 = arith.subi %sign3A_1422, %sign3A_1425 : i32
      %ne3A = arith.cmpi ne, %sign3A_1419, %sign3A_1426 : i32
      %rem3A = arith.remsi %add3A_1411, %jit3A_1412 : i32
      %ne3A_1427 = arith.constant 0 : i32
      %ne3A_1428 = arith.cmpi ne, %rem3A, %ne3A_1427 : i32
      %and3A = arith.andi %ne3A, %ne3A_1428 : i1
      %sub3A_1429 = arith.constant 1 : i32
      %sub3A_1430 = arith.subi %div3A_1413, %sub3A_1429 : i32
      %select_n3A_1431 = arith.select %and3A, %sub3A_1430, %div3A_1413 : i32
      %mul3A_1432 = arith.constant 8 : i32
      %mul3A_1433 = arith.muli %mul3A_1432, %select_n3A_1431 : i32
      %sub3A_1434 = arith.subi %add3A_1411, %mul3A_1433 : i32
      %eq3A_1435 = arith.constant 0 : i32
      %eq3A_1436 = vector.broadcast %eq3A_1435 : i32 to vector<16xi32>
      %eq3A_1437 = arith.cmpi eq, %iota3A, %eq3A_1436 : vector<16xi32>
      %broadcast_in_dim3A_1438 = vector.broadcast %select_n3A_1431 : i32 to vector<16xi32>
      %broadcast_in_dim3A_1439 = vector.broadcast %sub3A_1434 : i32 to vector<16xi32>
      %select_n3A_1440 = arith.select %eq3A_1437, %broadcast_in_dim3A_1438, %broadcast_in_dim3A_1439 : vector<16xi1>, vector<16xi32>
      %swap3A = arith.constant 0 : index
      %swap3A_1441 = tpu.vector_load %arg14[%swap3A] {strides = array<i32>} : memref<16xi32, #tpu.memory_space<vmem>>, vector<16xi32>,
      %swap3A_1442 = vector.shape_cast %swap3A_1441 : vector<16xi32> to vector<16xi32>
      %swap3A_1443 = vector.shape_cast %select_n3A_1440 : vector<16xi32> to vector<16xi32>
      tpu.vector_store %arg14[%swap3A], %swap3A_1443 {strides = array<i32>} : memref<16xi32, #tpu.memory_space<vmem>>, vector<16xi32>,
      %eq3A_1444 = arith.constant 0 : i32
      %eq3A_1445 = vector.broadcast %eq3A_1444 : i32 to vector<16xi32>
      %eq3A_1446 = arith.cmpi eq, %iota3A, %eq3A_1445 : vector<16xi32>
      %select_n3A_1447 = arith.select %eq3A_1446, %max3A_698, %max3A_817 : vector<16xi1>, vector<16xf32>
      %swap3A_1448 = arith.constant 0 : index
      %swap3A_1449 = tpu.vector_load %arg15[%swap3A_1448] {strides = array<i32>} : memref<16xf32, #tpu.memory_space<vmem>>, vector<16xf32>,
      %swap3A_1450 = vector.shape_cast %swap3A_1449 : vector<16xf32> to vector<16xf32>
      %swap3A_1451 = vector.shape_cast %select_n3A_1447 : vector<16xf32> to vector<16xf32>
      tpu.vector_store %arg15[%swap3A_1448], %swap3A_1451 {strides = array<i32>} : memref<16xf32, #tpu.memory_space<vmem>>, vector<16xf32>,
      "tpu.region"() ({
        %run_scoped3A = tpu.sem_alloc : memref<!tpu.dma_semaphore, #tpu.memory_space<semaphore_mem>>
        tpu.enqueue_dma source(%arg14 : memref<16xi32, #tpu.memory_space<vmem>>) target(%arg7 : memref<16xi32, #tpu.memory_space<hbm>>) target_semaphore(%run_scoped3A : memref<!tpu.dma_semaphore, #tpu.memory_space<semaphore_mem>>)
        tpu.wait_dma2 semaphore(%run_scoped3A : memref<!tpu.dma_semaphore, #tpu.memory_space<semaphore_mem>>) src(%arg14 : memref<16xi32, #tpu.memory_space<vmem>>) dst(%arg7 : memref<16xi32, #tpu.memory_space<hbm>>)
        tpu.yield
      }) : () -> ()
      "tpu.region"() ({
        %run_scoped3A = tpu.sem_alloc : memref<!tpu.dma_semaphore, #tpu.memory_space<semaphore_mem>>
        tpu.enqueue_dma source(%arg15 : memref<16xf32, #tpu.memory_space<vmem>>) target(%arg8 : memref<16xf32, #tpu.memory_space<hbm>>) target_semaphore(%run_scoped3A : memref<!tpu.dma_semaphore, #tpu.memory_space<semaphore_mem>>)
        tpu.wait_dma2 semaphore(%run_scoped3A : memref<!tpu.dma_semaphore, #tpu.memory_space<semaphore_mem>>) src(%arg15 : memref<16xf32, #tpu.memory_space<vmem>>) dst(%arg8 : memref<16xf32, #tpu.memory_space<hbm>>)
        tpu.yield
      }) : () -> ()
    } else {
    }
    return
  }
}

module attributes {stable_mosaic.version = 14 : i64} {
  func.func @_ffn_body(%arg0: i32, %arg1: i32, %arg2: memref<2xi32, #tpu.memory_space<smem>>, %arg3: memref<2xf32, #tpu.memory_space<smem>>, %arg4: memref<1x1024xf32, #tpu.memory_space<vmem>>, %arg5: memref<1x512x1024xf32, #tpu.memory_space<vmem>>, %arg6: memref<1x512x1024xf32, #tpu.memory_space<vmem>>, %arg7: memref<1x1x1024xf32, #tpu.memory_space<vmem>>, %arg8: memref<1x512x1024xf32, #tpu.memory_space<vmem>>, %arg9: memref<1x512x1024xf32, #tpu.memory_space<vmem>>, %arg10: memref<1x1x1024xf32, #tpu.memory_space<vmem>>, %arg11: memref<1x1024xf32, #tpu.memory_space<vmem>>) attributes {dimension_semantics = [#tpu.dimension_semantics<arbitrary>, #tpu.dimension_semantics<arbitrary>], iteration_bounds = array<i64: 2, 4>, scalar_prefetch = 2 : i64, scratch_operands = 0 : i64, tpu.core_type = #tpu.core_type<tc>, window_params = [{pipeline_mode = #tpu.pipeline_mode<synchronous>, transform_indices = @transform_0, window_bounds = array<i64: 1, 1024>}, {transform_indices = @transform_1, window_bounds = array<i64: 1, 512, 1024>}, {transform_indices = @transform_2, window_bounds = array<i64: 1, 512, 1024>}, {transform_indices = @transform_3, window_bounds = array<i64: 1, 1, 1024>}, {transform_indices = @transform_4, window_bounds = array<i64: 1, 512, 1024>}, {transform_indices = @transform_5, window_bounds = array<i64: 1, 512, 1024>}, {transform_indices = @transform_6, window_bounds = array<i64: 1, 1, 1024>}, {pipeline_mode = #tpu.pipeline_mode<synchronous>, transform_indices = @transform_7, window_bounds = array<i64: 1, 1024>}]} {
    %eq3A = arith.constant 0 : i32
    %eq3A_0 = arith.cmpi eq, %arg0, %eq3A : i32
    %eq3A_1 = arith.constant 0 : i32
    %eq3A_2 = arith.cmpi eq, %arg1, %eq3A_1 : i32
    %and3A = arith.andi %eq3A_0, %eq3A_2 : i1
    %convert_element_type3A = arith.extui %and3A : i1 to i32
    %cond3A = arith.constant 0 : i32
    %cond3A_3 = arith.cmpi ne, %convert_element_type3A, %cond3A : i32
    scf.if %cond3A_3 {
      %broadcast_in_dim3A = arith.constant 0.000000e+00 : f32
      %broadcast_in_dim3A_59 = vector.broadcast %broadcast_in_dim3A : f32 to vector<1x1024xf32>
      %swap3A_60 = arith.constant 0 : index
      %swap3A_61 = arith.constant 0 : index
      %swap3A_62 = vector.load %arg11[%swap3A_60, %swap3A_61] : memref<1x1024xf32, #tpu.memory_space<vmem>>, vector<1x1024xf32>
      tpu.vector_store %arg11[%swap3A_60, %swap3A_61], %broadcast_in_dim3A_59 {strides = array<i32>} : memref<1x1024xf32, #tpu.memory_space<vmem>>, vector<1x1024xf32>,
    } else {
    }
    %get3A = arith.constant 0 : index
    %get3A_4 = arith.constant 0 : index
    %get3A_5 = vector.load %arg4[%get3A, %get3A_4] : memref<1x1024xf32, #tpu.memory_space<vmem>>, vector<1x1024xf32>
    %slice3A = vector.extract_strided_slice %get3A_5 {offsets = [0, 0], sizes = [1, 512], strides = [1, 1]} : vector<1x1024xf32> to vector<1x512xf32>
    %get3A_6 = arith.constant 0 : index
    %get3A_7 = arith.constant 0 : index
    %get3A_8 = arith.constant 0 : index
    %get3A_9 = vector.load %arg5[%get3A_6, %get3A_7, %get3A_8] : memref<1x512x1024xf32, #tpu.memory_space<vmem>>, vector<1x512x1024xf32>
    %get3A_10 = vector.shape_cast %get3A_9 : vector<1x512x1024xf32> to vector<512x1024xf32>
    %dot_general3A = arith.constant dense<0.000000e+00> : vector<1x1024xf32>
    %dot_general3A_11 = tpu.matmul %slice3A, %get3A_10, %dot_general3A {dimension_numbers = #tpu.dot_dimension_numbers<[1], [0], [0], [1], [0, 0, 1, 1], [], []>, transpose_lhs_hint = false} : vector<1x512xf32>, vector<512x1024xf32>, vector<1x1024xf32> -> vector<1x1024xf32>
    %slice3A_12 = vector.extract_strided_slice %get3A_5 {offsets = [0, 512], sizes = [1, 512], strides = [1, 1]} : vector<1x1024xf32> to vector<1x512xf32>
    %get3A_13 = arith.constant 0 : index
    %get3A_14 = arith.constant 0 : index
    %get3A_15 = arith.constant 0 : index
    %get3A_16 = vector.load %arg6[%get3A_13, %get3A_14, %get3A_15] : memref<1x512x1024xf32, #tpu.memory_space<vmem>>, vector<1x512x1024xf32>
    %get3A_17 = vector.shape_cast %get3A_16 : vector<1x512x1024xf32> to vector<512x1024xf32>
    %dot_general3A_18 = arith.constant dense<0.000000e+00> : vector<1x1024xf32>
    %dot_general3A_19 = tpu.matmul %slice3A_12, %get3A_17, %dot_general3A_18 {dimension_numbers = #tpu.dot_dimension_numbers<[1], [0], [0], [1], [0, 0, 1, 1], [], []>, transpose_lhs_hint = false} : vector<1x512xf32>, vector<512x1024xf32>, vector<1x1024xf32> -> vector<1x1024xf32>
    %add3A = arith.addf %dot_general3A_11, %dot_general3A_19 : vector<1x1024xf32>
    %get3A_20 = arith.constant 0 : index
    %get3A_21 = arith.constant 0 : index
    %get3A_22 = arith.constant 0 : index
    %get3A_23 = vector.load %arg7[%get3A_20, %get3A_21, %get3A_22] : memref<1x1x1024xf32, #tpu.memory_space<vmem>>, vector<1x1x1024xf32>
    %get3A_24 = vector.shape_cast %get3A_23 : vector<1x1x1024xf32> to vector<1x1024xf32>
    %add3A_25 = arith.addf %add3A, %get3A_24 : vector<1x1024xf32>
    %max3A = arith.constant 0.000000e+00 : f32
    %max3A_26 = vector.broadcast %max3A : f32 to vector<1x1024xf32>
    %max3A_27 = arith.maximumf %add3A_25, %max3A_26 : vector<1x1024xf32>
    %slice3A_28 = vector.extract_strided_slice %max3A_27 {offsets = [0, 0], sizes = [1, 512], strides = [1, 1]} : vector<1x1024xf32> to vector<1x512xf32>
    %get3A_29 = arith.constant 0 : index
    %get3A_30 = arith.constant 0 : index
    %get3A_31 = arith.constant 0 : index
    %get3A_32 = vector.load %arg8[%get3A_29, %get3A_30, %get3A_31] : memref<1x512x1024xf32, #tpu.memory_space<vmem>>, vector<1x512x1024xf32>
    %get3A_33 = vector.shape_cast %get3A_32 : vector<1x512x1024xf32> to vector<512x1024xf32>
    %dot_general3A_34 = arith.constant dense<0.000000e+00> : vector<1x1024xf32>
    %dot_general3A_35 = tpu.matmul %slice3A_28, %get3A_33, %dot_general3A_34 {dimension_numbers = #tpu.dot_dimension_numbers<[1], [0], [0], [1], [0, 0, 1, 1], [], []>, transpose_lhs_hint = false} : vector<1x512xf32>, vector<512x1024xf32>, vector<1x1024xf32> -> vector<1x1024xf32>
    %slice3A_36 = vector.extract_strided_slice %max3A_27 {offsets = [0, 512], sizes = [1, 512], strides = [1, 1]} : vector<1x1024xf32> to vector<1x512xf32>
    %get3A_37 = arith.constant 0 : index
    %get3A_38 = arith.constant 0 : index
    %get3A_39 = arith.constant 0 : index
    %get3A_40 = vector.load %arg9[%get3A_37, %get3A_38, %get3A_39] : memref<1x512x1024xf32, #tpu.memory_space<vmem>>, vector<1x512x1024xf32>
    %get3A_41 = vector.shape_cast %get3A_40 : vector<1x512x1024xf32> to vector<512x1024xf32>
    %dot_general3A_42 = arith.constant dense<0.000000e+00> : vector<1x1024xf32>
    %dot_general3A_43 = tpu.matmul %slice3A_36, %get3A_41, %dot_general3A_42 {dimension_numbers = #tpu.dot_dimension_numbers<[1], [0], [0], [1], [0, 0, 1, 1], [], []>, transpose_lhs_hint = false} : vector<1x512xf32>, vector<512x1024xf32>, vector<1x1024xf32> -> vector<1x1024xf32>
    %add3A_44 = arith.addf %dot_general3A_35, %dot_general3A_43 : vector<1x1024xf32>
    %get3A_45 = arith.index_cast %arg0 : i32 to index
    %get3A_46 = memref.load %arg3[%get3A_45] : memref<2xf32, #tpu.memory_space<smem>>
    %get3A_47 = arith.constant 0 : index
    %get3A_48 = arith.constant 0 : index
    %get3A_49 = vector.load %arg11[%get3A_47, %get3A_48] : memref<1x1024xf32, #tpu.memory_space<vmem>>, vector<1x1024xf32>
    %mul3A = vector.broadcast %get3A_46 : f32 to vector<1x1024xf32>
    %mul3A_50 = arith.mulf %mul3A, %add3A_44 : vector<1x1024xf32>
    %add3A_51 = arith.addf %get3A_49, %mul3A_50 : vector<1x1024xf32>
    %swap3A = arith.constant 0 : index
    %swap3A_52 = arith.constant 0 : index
    %swap3A_53 = vector.load %arg11[%swap3A, %swap3A_52] : memref<1x1024xf32, #tpu.memory_space<vmem>>, vector<1x1024xf32>
    tpu.vector_store %arg11[%swap3A, %swap3A_52], %add3A_51 {strides = array<i32>} : memref<1x1024xf32, #tpu.memory_space<vmem>>, vector<1x1024xf32>,
    %eq3A_54 = arith.constant 0 : i32
    %eq3A_55 = arith.cmpi eq, %arg1, %eq3A_54 : i32
    %convert_element_type3A_56 = arith.extui %eq3A_55 : i1 to i32
    %cond3A_57 = arith.constant 0 : i32
    %cond3A_58 = arith.cmpi ne, %convert_element_type3A_56, %cond3A_57 : i32
    scf.if %cond3A_58 {
      %get3A_59 = arith.constant 0 : index
      %get3A_60 = arith.constant 0 : index
      %get3A_61 = vector.load %arg11[%get3A_59, %get3A_60] : memref<1x1024xf32, #tpu.memory_space<vmem>>, vector<1x1024xf32>
      %get3A_62 = arith.constant 0 : index
      %get3A_63 = arith.constant 0 : index
      %get3A_64 = arith.constant 0 : index
      %get3A_65 = vector.load %arg10[%get3A_62, %get3A_63, %get3A_64] : memref<1x1x1024xf32, #tpu.memory_space<vmem>>, vector<1x1x1024xf32>
      %get3A_66 = vector.shape_cast %get3A_65 : vector<1x1x1024xf32> to vector<1x1024xf32>
      %mul3A_67 = vector.broadcast %get3A_46 : f32 to vector<1x1024xf32>
      %mul3A_68 = arith.mulf %mul3A_67, %get3A_66 : vector<1x1024xf32>
      %add3A_69 = arith.addf %get3A_61, %mul3A_68 : vector<1x1024xf32>
      %swap3A_70 = arith.constant 0 : index
      %swap3A_71 = arith.constant 0 : index
      %swap3A_72 = vector.load %arg11[%swap3A_70, %swap3A_71] : memref<1x1024xf32, #tpu.memory_space<vmem>>, vector<1x1024xf32>
      tpu.vector_store %arg11[%swap3A_70, %swap3A_71], %add3A_69 {strides = array<i32>} : memref<1x1024xf32, #tpu.memory_space<vmem>>, vector<1x1024xf32>,
    } else {
    }
    return
  }
  func.func @transform_0(%arg0: i32, %arg1: i32, %arg2: memref<2xi32, #tpu.memory_space<smem>>, %arg3: memref<2xf32, #tpu.memory_space<smem>>) -> (i32, i32) {
    %c0_i32 = arith.constant 0 : i32
    %c0_i32_0 = arith.constant 0 : i32
    %c0_i32_1 = arith.constant 0 : i32
    return %c0_i32, %c0_i32_0 : i32, i32
  }
  func.func @transform_1(%arg0: i32, %arg1: i32, %arg2: memref<2xi32, #tpu.memory_space<smem>>, %arg3: memref<2xf32, #tpu.memory_space<smem>>) -> (i32, i32, i32) {
    %get3A = arith.index_cast %arg0 : i32 to index
    %get3A_0 = memref.load %arg2[%get3A] : memref<2xi32, #tpu.memory_space<smem>>
    %c0_i32 = arith.constant 0 : i32
    %c0_i32_1 = arith.constant 0 : i32
    return %get3A_0, %c0_i32, %arg1 : i32, i32, i32
  }
  func.func @transform_2(%arg0: i32, %arg1: i32, %arg2: memref<2xi32, #tpu.memory_space<smem>>, %arg3: memref<2xf32, #tpu.memory_space<smem>>) -> (i32, i32, i32) {
    %get3A = arith.index_cast %arg0 : i32 to index
    %get3A_0 = memref.load %arg2[%get3A] : memref<2xi32, #tpu.memory_space<smem>>
    %c1_i32 = arith.constant 1 : i32
    %c0_i32 = arith.constant 0 : i32
    return %get3A_0, %c1_i32, %arg1 : i32, i32, i32
  }
  func.func @transform_3(%arg0: i32, %arg1: i32, %arg2: memref<2xi32, #tpu.memory_space<smem>>, %arg3: memref<2xf32, #tpu.memory_space<smem>>) -> (i32, i32, i32) {
    %get3A = arith.index_cast %arg0 : i32 to index
    %get3A_0 = memref.load %arg2[%get3A] : memref<2xi32, #tpu.memory_space<smem>>
    %c0_i32 = arith.constant 0 : i32
    %c0_i32_1 = arith.constant 0 : i32
    return %get3A_0, %c0_i32, %arg1 : i32, i32, i32
  }
  func.func @transform_4(%arg0: i32, %arg1: i32, %arg2: memref<2xi32, #tpu.memory_space<smem>>, %arg3: memref<2xf32, #tpu.memory_space<smem>>) -> (i32, i32, i32) {
    %get3A = arith.index_cast %arg0 : i32 to index
    %get3A_0 = memref.load %arg2[%get3A] : memref<2xi32, #tpu.memory_space<smem>>
    %mul3A = arith.constant 2 : i32
    %mul3A_1 = arith.muli %mul3A, %arg1 : i32
    %c0_i32 = arith.constant 0 : i32
    %c0_i32_2 = arith.constant 0 : i32
    return %get3A_0, %mul3A_1, %c0_i32 : i32, i32, i32
  }
  func.func @transform_5(%arg0: i32, %arg1: i32, %arg2: memref<2xi32, #tpu.memory_space<smem>>, %arg3: memref<2xf32, #tpu.memory_space<smem>>) -> (i32, i32, i32) {
    %get3A = arith.index_cast %arg0 : i32 to index
    %get3A_0 = memref.load %arg2[%get3A] : memref<2xi32, #tpu.memory_space<smem>>
    %mul3A = arith.constant 2 : i32
    %mul3A_1 = arith.muli %mul3A, %arg1 : i32
    %add3A = arith.constant 1 : i32
    %add3A_2 = arith.addi %mul3A_1, %add3A : i32
    %c0_i32 = arith.constant 0 : i32
    %c0_i32_3 = arith.constant 0 : i32
    return %get3A_0, %add3A_2, %c0_i32 : i32, i32, i32
  }
  func.func @transform_6(%arg0: i32, %arg1: i32, %arg2: memref<2xi32, #tpu.memory_space<smem>>, %arg3: memref<2xf32, #tpu.memory_space<smem>>) -> (i32, i32, i32) {
    %get3A = arith.index_cast %arg0 : i32 to index
    %get3A_0 = memref.load %arg2[%get3A] : memref<2xi32, #tpu.memory_space<smem>>
    %c0_i32 = arith.constant 0 : i32
    %c0_i32_1 = arith.constant 0 : i32
    %c0_i32_2 = arith.constant 0 : i32
    return %get3A_0, %c0_i32, %c0_i32_1 : i32, i32, i32
  }
  func.func @transform_7(%arg0: i32, %arg1: i32, %arg2: memref<2xi32, #tpu.memory_space<smem>>, %arg3: memref<2xf32, #tpu.memory_space<smem>>) -> (i32, i32) {
    %c0_i32 = arith.constant 0 : i32
    %c0_i32_0 = arith.constant 0 : i32
    %c0_i32_1 = arith.constant 0 : i32
    return %c0_i32, %c0_i32_0 : i32, i32
  }
}

</mosaic_0001>

<sc_bundles>
// kernel: kernel.4.cloned.1.call-start
scs
__scs_entry_jumppad:
0x0: {  	(pc) =	sbr.rel $0x88, $3  }
0x1: {  	(tag) =	ssettag $0x0;
	lr =	simm.s32 $0x1  }
0x2: {  	[smem:$0x3F99] =	sst lr;
	_ =	strace $0xD0000000  }
0x3: {  	_ = 	snop  }
0x4: {  	_ = 	snop  }
0x5: {  	_ = 	snop  }
0x6: {  	_ = 	snop  }
0x7: {  	_ = 	snop  }
__scs_overlays_trampoline_lowered:
0x8: {  	[smem:$0x3FA8] =	sst s0  }
0x9: {  	[smem:$0x3FA9] =	sst s1  }
0xa: {  	[smem:$0x3FAA] =	sst s2  }
0xb: {  	[smem:$0x3FAB] =	sst s3  }
0xc: {  	[smem:$0x3FAC] =	sst s4  }
0xd: {  	[smem:$0x3FAD] =	sst s5  }
0xe: {  	[smem:$0x3FAE] =	sst s6  }
0xf: {  	[smem:$0x3FAF] =	sst s7  }
0x10: {  	[smem:$0x3FB0] =	sst s8  }
0x11: {  	[smem:$0x3FB1] =	sst s9;
	s0 =	simm.s32 @!p0 $0x0  }
0x12: {  	s1 =	sld [smem:$0x3F97];
	s0 =	simm.s32 @p0 $0x1  }
0x13: {  	[smem:$0x3FB2] =	sst s0;
	s0 =	simm.s32 @!p1 $0x0  }
0x14: {  	s2 =	sld [smem:$0x3F96];
	s0 =	simm.s32 @p1 $0x1  }
0x15: {  	[smem:$0x3FB3] =	sst s0;
	s0 =	simm.s32 @!p2 $0x0  }
0x16: {  	s3 =	sld [smem:$0x3FDB];
	s0 =	simm.s32 @p2 $0x1  }
0x17: {  	s4 =	simm.s32 $0x1BF5;
	[smem:$0x3FB5] =	sst s0  }
0x18: {  	s0 =	sld [smem:$0x3F98];
	_ =	swait.ge [sflag:s4], $0x0  }
0x19: {  	s7 =	sld [smem:$0x3F99]  }
0x1a: {  	s8 =	sadd.s32 $0xFFFFE003, lr  }
0x1b: {  	s9 =	sadd.s32 $0xFFFFFEF7, lr;
	s5 =	simm.s32 $0xFFFFFFFF;
	p2 =	slt.u32 s8, $0xFFFFF086  }
0x1c: {  	p1 =	slt.u32 s9, $0xF7A;
	s5 =	simm.s32 @!p2 $0x0  }
0x1d: {  	s5 =	simm.s32 @p1 $0x1;
	p0 =	seq.s32 s7, s2  }
0x1e: {  	s7 =	smul.u32 @!p0 $0xF7A, s2;
	p2 =	seq.s32 @!p0 s5, $0x0  }
0x1f: {  	s9 =	smul.u32 $0xF7A, s1;
	s8 =	simm.s32 @!p0 $0x1BF5;
	p2 =	por !p2, p0  }
0x20: {  	[sflag:s8] =	ssyncset.s32 @!p0 $0xFFFFF086;
	s6 =	sadd.s32 @!p0 s3, s7;
	s7 =	simm.s32 @!p0 $0x108  }
0x21: {  	s3 =	sadd.s32 s3, s9;
	s6 =	sadd.s32 @!p0 $0x88, s6;
	s7 =	simm.s32 @p2 $0x1082  }
0x22: {  	[simem:s7], [sflag:s8] =	dma.local @!p0 [hbm:s6], $0xF7A  }
0x23: {  	s9 =	sor.u32 $0xD0000000, s2;
	s6 =	simm.s32 $0x108;
	_ =	swait.ge @!p0 [sflag:s8], $0x0  }
0x24: {  	s3 =	sadd.s32 $0x88, s3;
	s6 =	simm.s32 @!p1 $0x1082;
	[sflag:s4] =	ssyncset.s32 $0xFFFFF086  }
0x25: {  	[simem:s6], [sflag:s4] =	dma.local [hbm:s3], $0xF7A  }
0x26: {  	[smem:$0x3F99] =	sst s1;
	(tag) =	ssettag s2;
	_ =	strace s9  }
0x27: {  	s1 =	sld [smem:$0x3FA9]  }
0x28: {  	s2 =	sld [smem:$0x3FAA]  }
0x29: {  	s4 =	sld [smem:$0x3FAC]  }
0x2a: {  	p0 =	seq.s32 s5, $0x0;
	s5 =	sld [smem:$0x3FAD]  }
0x2b: {  	s6 =	sld [smem:$0x3FAE]  }
0x2c: {  	s7 =	sld [smem:$0x3FAF]  }
0x2d: {  	s3 =	simm.s32 $0x108;
	s8 =	sld [smem:$0x3FB0]  }
0x2e: {  	s3 =	simm.s32 @!p0 $0x1082;
	s9 =	sld [smem:$0x3FB1]  }
0x2f: {  	lr =	sadd.s32 s0, s3;
	s0 =	sld [smem:$0x3FA8]  }
0x30: {  	s3 =	sld [smem:$0x3FAB]  }
0x31: {  	[smem:$0x3FB4] =	sst s10  }
0x32: {  	s10 =	sld [smem:$0x3FB2];
	_ =	sdelay $0x3  }
0x33: {  	p0 =	seq.s32 s10, $0x1;
	s10 =	sld [smem:$0x3FB4];
	_ =	sdelay $0x3  }
0x34: {  	[smem:$0x3FB4] =	sst s10  }
0x35: {  	s10 =	sld [smem:$0x3FB3];
	_ =	sdelay $0x3  }
0x36: {  	p1 =	seq.s32 s10, $0x1;
	s10 =	sld [smem:$0x3FB4];
	_ =	sdelay $0x3  }
0x37: {  	[smem:$0x3FB4] =	sst s10  }
0x38: {  	s10 =	sld [smem:$0x3FB5]  }
0x39: {  	_ = 	snop;
	(pc) =	sbr.ind lr, $3  }
0x3a: {  	_ = 	snop  }
0x3b: {  	_ = 	snop  }
0x3c: {  	p2 =	seq.s32 s10, $0x1;
	s10 =	sld [smem:$0x3FB4]  }
0x3d: {  	_ =	shalt  }
0x3e: {  	_ =	shalt  }
0x3f: {  	_ =	shalt  }
0x40: {  	_ =	shalt  }
0x41: {  	_ =	shalt  }
0x42: {  	_ =	shalt  }
0x43: {  	_ =	shalt  }
0x44: {  	_ =	shalt  }
0x45: {  	_ =	shalt  }
0x46: {  	_ =	shalt  }
0x47: {  	_ =	shalt  }
0x48: {  	_ =	shalt  }
0x49: {  	_ =	shalt  }
0x4a: {  	_ =	shalt  }
0x4b: {  	_ =	shalt  }
0x4c: {  	_ =	shalt  }
0x4d: {  	_ =	shalt  }
0x4e: {  	_ =	shalt  }
0x4f: {  	_ =	shalt  }
0x50: {  	_ =	shalt  }
0x51: {  	_ =	shalt  }
0x52: {  	_ =	shalt  }
0x53: {  	_ =	shalt  }
0x54: {  	_ =	shalt  }
0x55: {  	_ =	shalt  }
0x56: {  	_ =	shalt  }
0x57: {  	_ =	shalt  }
0x58: {  	_ =	shalt  }
0x59: {  	_ =	shalt  }
0x5a: {  	_ =	shalt  }
0x5b: {  	_ =	shalt  }
0x5c: {  	_ =	shalt  }
0x5d: {  	_ =	shalt  }
0x5e: {  	_ =	shalt  }
0x5f: {  	_ =	shalt  }
0x60: {  	_ =	shalt  }
0x61: {  	_ =	shalt  }
0x62: {  	_ =	shalt  }
0x63: {  	_ =	shalt  }
0x64: {  	_ =	shalt  }
0x65: {  	_ =	shalt  }
0x66: {  	_ =	shalt  }
0x67: {  	_ =	shalt  }
0x68: {  	_ =	shalt  }
0x69: {  	_ =	shalt  }
0x6a: {  	_ =	shalt  }
0x6b: {  	_ =	shalt  }
0x6c: {  	_ =	shalt  }
0x6d: {  	_ =	shalt  }
0x6e: {  	_ =	shalt  }
0x6f: {  	_ =	shalt  }
0x70: {  	_ =	shalt  }
0x71: {  	_ =	shalt  }
0x72: {  	_ =	shalt  }
0x73: {  	_ =	shalt  }
0x74: {  	_ =	shalt  }
0x75: {  	_ =	shalt  }
0x76: {  	_ =	shalt  }
0x77: {  	_ =	shalt  }
0x78: {  	_ =	shalt  }
0x79: {  	_ =	shalt  }
0x7a: {  	_ =	shalt  }
0x7b: {  	_ =	shalt  }
0x7c: {  	_ =	shalt  }
0x7d: {  	_ =	shalt  }
0x7e: {  	_ =	shalt  }
0x7f: {  	_ =	shalt  }
0x80: {  	_ =	shalt  }
0x81: {  	_ =	shalt  }
0x82: {  	_ =	shalt  }
0x83: {  	_ =	shalt  }
0x84: {  	_ =	shalt  }
0x85: {  	_ =	shalt  }
0x86: {  	_ =	shalt  }
0x87: {  	_ =	shalt  }
.Lfunc_end0:
.L_simem_size_0:
called_computation_lowered:
.L_overlay_start_0:
0x88: {  	s2 =	sld [smem:$0x3FD9]  }
0x89: {  	s3 =	sld [smem:$0x3FFE];
	_ =	sdelay $0x1  }
0x8a: {  	s1 =	srdreg.scid  }
0x8b: {  	s0 =	sand.u32 $0x1, s1  }
0x8c: {  	s17 =	sshll.u32 s0, $0xA;
	s2 =	sadd.s32 s3, s2  }
0x8d: {  	s2 =	sadd.s32 s2, s17  }
0x8e: {  	[smem:$0x3FC0] =	sst s2  }
0x8f: {  	_ = 	snop  }
0x90: {  	s2 =	sld [smem:$0x3FC9]  }
0x91: {  	s18 =	sld [smem:$0x3FD0];
	(tm) =	ssettm $0x1  }
0x92: {  	s4 =	sld [smem:$0x3FFB];
	_ =	sdelay $0x3  }
0x93: {  	_ =	strace s4  }
0x94: {  	s4 =	sld [smem:$0x3FFC];
	_ =	sdelay $0x3  }
0x95: {  	_ =	strace s4  }
0x96: {  	s4 =	sld [smem:$0x3FFD];
	_ =	sdelay $0x3  }
0x97: {  	_ =	strace s4  }
0x98: {  	_ =	strace $0x8FFFFFFF  }
0x99: {  	s19 =	sld [smem:$0x3FDB];
	_ =	sdelay $0x1  }
0x9a: {  	s5 =	simm.s32 $_scs_section_size  }
0x9b: {  	s6 =	simm.s32 $_size__tile_overlayer_lowered;
	s7 =	simm.s32 $_tile_overlayer_lowered  }
0x9c: {  	s22 =	simm.s32 $0x1BFF;
	s21 =	sshll.u32 s7, $0x1;
	s4 =	sadd.s32 s5, s19  }
0x9d: {  	s8 =	simm.s32 $0x0;
	s20 =	sshll.u32 s6, $0x1;
	s6 =	sadd.s32 s21, s4  }
0x9e: {  	[timem:s8], [sflag:s22] =	dma.local [hbm:s6], s20  }
0x9f: {  	_ =	swait.ge [sflag:s22], s20  }
0xa0: {  	s5 =	ssub.s32 $0x0, s20;
	[sflag:s22] =	ssyncset.done $0x0  }
0xa1: {  	[sflag:s22] =	ssyncadd.s32 s5;
	_ =	sdelay $0x1  }
0xa2: {  	s23 =	simm.s32 $0x1B8B  }
0xa3: {  	_ =	swait.ge [sflag:s23], $0x1  }
0xa4: {  	[sflag:s23] =	ssyncset.done $0x0  }
0xa5: {  	s25 =	simm.s32 $0x1B8E;
	s24 =	sld [smem:$0x3FFE];
	[sflag:s23] =	ssyncadd.s32 $0xFFFFFFFF  }
0xa6: {  	s26 =	simm.s32 $execute0_lowered;
	[smem:$0x3FD2] =	sst s25  }
0xa7: {  	s6 =	sshll.u32 s26, $0x1;
	_ =	strace $0x80000046;
	[dreg:$0x1] =	wrdreg $0xFFFFFFFF  }
0xa8: {  	s28 =	simm.s32 $_size_execute0_lowered;
	s4 =	sadd.s32 s4, s6;
	[dreg:$0x0] =	wrdreg $0x0  }
0xa9: {  	s6 =	sshll.u32 s28, $0x1;
	[dreg:$0x2] =	wrdreg s4  }
0xaa: {  	[dreg:$0x3] =	wrdreg s6  }
0xab: {  	[dreg:$0x4] =	wrdreg $0xC0  }
0xac: {  	_ =	task [dreg:s8], $0x5FFFF  }
0xad: {  	[dreg:$0x1] =	wrdreg $0xFFFFFFFF  }
0xae: {  	[dreg:$0x0] =	wrdreg $0x60  }
0xaf: {  	[dreg:$0x2] =	wrdreg s2  }
0xb0: {  	[dreg:$0x3] =	wrdreg s24  }
0xb1: {  	[dreg:$0x4] =	wrdreg s18  }
0xb2: {  	[dreg:$0x5] =	wrdreg $0x9  }
0xb3: {  	_ =	task.clear_ibuf [dreg:s8], $0x6FFFF;
	_ =	strace $0x90000046  }
0xb4: {  	s29 =	simm.s32 $0x9;
	_ =	strace $0x80000048  }
0xb5: {  	_ =	swait.ge [sflag:s29], $0x1  }
0xb6: {  	[sflag:s29] =	ssyncadd.s32 $0xFFFFFFFF  }
0xb7: {  	_ =	strace $0x90000048  }
0xb8: {  	_ =	sfence  }
0xb9: {  	s30 =	sld [smem:$0x0];
	_ =	sdelay $0x2  }
0xba: {  	s31 =	sshll.u32 s1, $0xD;
	s1 =	sshrl.u32 s1, $0x2  }
0xbb: {  	s3 =	sand.u32 $0x4000, s31;
	s1 =	sadd.s32 s1, s30  }
0xbc: {  	s0 =	sor.u32 s3, s0;
	s1 =	sshll.u32 s1, $0x11  }
0xbd: {  	s0 =	sor.u32 s1, s0  }
0xbe: {  	s0 =	sadd.s32 $0x8F2B, s0  }
0xbf: {  	[sflag:s0] =	ssyncadd.remote.s32 $0x1  }
0xc0: {  	_ =	sfence.sel $0xFFFF  }
0xc1: {  	[dreg:$0x0] =	wrdreg $0xFFFFFFFF;
	(pc) =	sbr.abs _section_cstart, $3  }
0xc2: {  	[dreg:$0x1] =	wrdreg $0xFFFFFFFF  }
0xc3: {  	_ =	task.clear_ibuf [dreg:s8], $0x2FFFF;
	_ =	strace $0x9FFFFFFF  }
0xc4: {  	(tm) =	ssettm $0x7FFFFFFF  }
0xc5: {  	_ =	shalt  }
tec
execute0_lowered:
.L_overlay_start_1:
0x0: {  	(tag) =	ssettag $0x1  }
0x1: {  	s1 =	srdreg.scid  }
0x2: {  	s2 =	stileid.u32;
	s1 =	sand.u32 $0x1, s1  }
0x3: {  	s2 =	sshll.u32 s2, $0x1;
	s3 =	ssub.s32 $0x0, s1  }
0x4: {  	p0 =	sne.s32 s2, s3  }
.Ltmp0:
0x5: {  	_ = 	snop;
	(pc) =	sbr.rel @p0 .LBB2_5-.Ltmp0, $2  }
0x6: {  	_ =	sdelay $0x2  }
0x7: {  	s0 =	rddreg [dreg:$0x1];
	_ =	strace $0x80000047  }
0x8: {  	v0 =	vimm.s32 $0xFEDCBA98;
	v1 =	vimm.s32 $0x76543210  }
0x9: {  	v2 =	vimm.s32 $0xBA98FEDC;
	v3 =	vimm.s32 $0x32107654;
	v4 =	vimm.s32 $0xDCFE98BA  }
0xa: {  	v5 =	vimm.s32 $0x54761032;
	v6 =	vimm.s32 $0xEFCDAB89;
	v7 =	vimm.s32 $0x67452301  }
0xb: {  	vm0 =	vmmov $0x1;
	vm3 =	vcmask $0x1310;
	vm4 =	vcmask $0xB18  }
0xc: {  	vm1 =	vcmask $0x30C;
	vm2 =	vcmask $0x710;
	vm5 =	vcmask $0x131C  }
0xd: {  	vm6 =	vmmov $0x3f;
	vm7 =	vmmov $0x7f;
	vm8 =	vmmov $0xff  }
0xe: {  	v0 =	vunpack.c.l.s4.s8 v0;
	v1 =	vunpack.c.l.s4.s8 v1;
	v2 =	vunpack.c.l.s4.s8 v2  }
0xf: {  	v3 =	vunpack.c.l.s4.s8 v3;
	v4 =	vunpack.c.l.s4.s8 v4;
	v5 =	vunpack.c.l.s4.s8 v5  }
0x10: {  	s2 =	sadd.s32 $0x1000, s0;
	v6 =	vunpack.c.l.s4.s8 v6;
	v7 =	vunpack.c.l.s4.s8 v7;
	v0 =	vunpack.c.0.s8.s32 v0  }
0x11: {  	s26 =	sadd.s32 $0xE00, s0;
	[dreg:$0x4] =	wrdreg s2;
	v2 =	vunpack.c.0.s8.s32 v2;
	v3 =	vunpack.c.0.s8.s32 v3;
	v4 =	vunpack.c.0.s8.s32 v4  }
0x12: {  	s1 =	ssub.s32 $0x2, s1;
	s28 =	sadd.s32 $0x1400, s0;
	[dreg:$0x5] =	wrdreg s26;
	v5 =	vunpack.c.0.s8.s32 v5;
	v6 =	vunpack.c.0.s8.s32 v6;
	v7 =	vunpack.c.0.s8.s32 v7  }
0x13: {  	s3 =	sadd.s32 $0x1600, s0;
	[dreg:$0x6] =	wrdreg s28;
	s29 =	sshrl.u32 s1, $0x1;
	vm3 =	vmor vm4, vm3;
	v1 =	vunpack.c.0.s8.s32 v1;
	v2 =	vcombine.low v3, v2  }
0x14: {  	s30 =	sadd.s32 $0x1800, s0;
	[dreg:$0x7] =	wrdreg s3;
	s31 =	ssub.s32 s1, s29;
	v3 =	vcombine.low v5, v4;
	v4 =	vcombine.low v7, v6;
	v0 =	vand.u32 $0xF, v0  }
0x15: {  	s11 =	simm.s32 $0x1;
	[dreg:$0x8] =	wrdreg s30;
	vm4 =	vcmask $0xF18;
	s0 =	smax.u32 s31, $0x1;
	v0 =	vcombine.low v0, v1;
	v1 =	vand.u32 $0xF, v2  }
0x16: {  	s19 =	simm.s32 $0x0;
	s2 =	simm.s32 $0x0;
	[dreg:$0x9] =	wrdreg s0;
	v2 =	vand.u32 $0xF, v3;
	v3 =	vand.u32 $0xF, v4;
	v4 =	vlaneseq.u32  }
.LBB2_2:
0x17: {  	s0 =	rddreg [dreg:$0x0]  }
0x18: {  	[tilespmem:s2], [sflag:$0x1] =	stream.linear.gather [hbm4b:s0+s2], $0x400, $0x38;
	[tilespmem:$0x2680] =	vst v63  }
0x19: {  	_ =	swait.ge [sflag:s11], $0x400  }
0x1a: {  	[sflag:s11] =	ssyncset.done $0x0  }
0x1b: {  	s24 =	simm.s32 $0x400;
	s1 =	rddreg [dreg:$0x4];
	[sflag:s11] =	ssyncadd.s32 $0xFFFFFC00  }
0x1c: {  	[tilespmem:s24], [sflag:$0x1] =	stream.linear.gather [hbm4b:s1+s2], $0x2000, $0x38;
	[tilespmem:$0x2680] =	vst v63  }
0x1d: {  	_ =	swait.ge [sflag:s11], $0x2000  }
0x1e: {  	[sflag:s11] =	ssyncset.done $0x0  }
0x1f: {  	[sflag:s11] =	ssyncadd.s32 $0xFFFFE000  }
0x20: {  	s3 =	simm.s32 $0x2400;
	s25 =	rddreg [dreg:$0x2]  }
0x21: {  	[tilespmem:s3], [sflag:$0x1] =	stream.linear.gather [hbm4b:s25+s2], $0x80, $0x38;
	[tilespmem:$0x2680] =	vst v63  }
0x22: {  	_ =	swait.ge [sflag:s11], $0x80  }
0x23: {  	[sflag:s11] =	ssyncset.done $0x0  }
0x24: {  	s28 =	simm.s32 $0x2480;
	s26 =	rddreg [dreg:$0x5];
	[sflag:s11] =	ssyncadd.s32 $0xFFFFFF80  }
0x25: {  	[tilespmem:s28], [sflag:$0x1] =	stream.linear.gather [hbm4b:s26+s2], $0x80, $0x38;
	[tilespmem:$0x2680] =	vst v63  }
0x26: {  	_ =	swait.ge [sflag:s11], $0x80  }
0x27: {  	[sflag:s11] =	ssyncset.done $0x0  }
0x28: {  	s30 =	simm.s32 $0x2500;
	s29 =	rddreg [dreg:$0x6];
	[sflag:s11] =	ssyncadd.s32 $0xFFFFFF80  }
0x29: {  	[tilespmem:s30], [sflag:$0x1] =	stream.linear.gather [hbm4b:s29+s2], $0x80, $0x38;
	[tilespmem:$0x2680] =	vst v63  }
0x2a: {  	_ =	swait.ge [sflag:s11], $0x80  }
0x2b: {  	[sflag:s11] =	ssyncset.done $0x0  }
0x2c: {  	[sflag:s11] =	ssyncadd.s32 $0xFFFFFF80  }
0x2d: {  	v5 =	vld [tilespmem:s24+$0x0]  }
0x2e: {  	s31 =	sand.u32 $0x3F0, s2;
	v7 =	vld [tilespmem:s2+$0x0]  }
0x2f: {  	v6 =	vld [tilespmem:s31+$0x2000]  }
0x30: {  	v8 =	vld [tilespmem:s31+$0x800]  }
0x31: {  	v9 =	vld [tilespmem:s31+$0xC00]  }
0x32: {  	v12 =	vld [tilespmem:s31+$0x1000];
	_ =	sdelay $0x1  }
0x33: {  	v10 =	vimm.f32 $0.0e+00;
	v17 =	vld [tilespmem:s31+$0x1400]  }
0x34: {  	v14 =	vimm.f32 $0.0e+00;
	v16 =	vld [tilespmem:s31+$0x1800];
	v5 =	vmul.f32 v5, v7;
	v6 =	vmul.f32 v6, v7  }
0x35: {  	v15 =	vimm.f32 $0.0e+00;
	s1 =	simm.s32 $0x410;
	v11 =	vld [tilespmem:s31+$0x1C00];
	v8 =	vmul.f32 v8, v7;
	v19 =	vmul.f32 v9, v7  }
0x36: {  	s2 =	simm.s32 $0x10;
	v18 =	vld [tilespmem:s1+$0x0];
	v20 =	vmul.f32 v12, v7;
	v12 =	vimm.f32 $0.0e+00;
	v13 =	vadd.f32 v5, v10  }
0x37: {  	s3 =	simm.s32 $0x20;
	s0 =	sand.u32 $0x3F0, s2;
	v6 =	vadd.f32 v6, v10;
	v9 =	vadd.f32 v8, v10;
	v5 =	vld [tilespmem:s2+$0x0];
	v8 =	vimm.f32 $0.0e+00  }
.LBB2_3:
0x38: {  	p0 =	sne.s32 s3, $0x3F0;
	v21 =	vld [tilespmem:s0+$0x2000];
	v10 =	vadd.f32 v19, v10;
	v17 =	vmul.f32 v17, v7  }
0x39: {  	v19 =	vld [tilespmem:s0+$0x800];
	v14 =	vadd.f32 v20, v14;
	v16 =	vmul.f32 v16, v7  }
0x3a: {  	v20 =	vld [tilespmem:s0+$0xC00];
	v15 =	vadd.f32 v17, v15;
	v23 =	vmul.f32 v11, v7  }
0x3b: {  	v22 =	vld [tilespmem:s0+$0x1000];
	v12 =	vadd.f32 v16, v12  }
.Ltmp1:
0x3c: {  	v11 =	vmul.f32 v18, v5;
	v17 =	vld [tilespmem:s0+$0x1400];
	v8 =	vadd.f32 v23, v8;
	v7 =	vmov v5;
	(pc) =	sbr.rel @p0 .LBB2_3-.Ltmp1, $4  }
0x3d: {  	v16 =	vld [tilespmem:s0+$0x1800];
	v5 =	vmul.f32 v21, v7  }
0x3e: {  	s1 =	sadd.s32 $0x10, s1;
	v13 =	vadd.f32 v11, v13;
	v21 =	vmul.f32 v19, v7;
	v11 =	vld [tilespmem:s0+$0x1C00]  }
0x3f: {  	s2 =	sadd.s32 $0x10, s2;
	v18 =	vld [tilespmem:s1+$0x0];
	v19 =	vmul.f32 v20, v7;
	v6 =	vadd.f32 v5, v6  }
0x40: {  	s0 =	sand.u32 $0x3F0, s3;
	s3 =	sadd.s32 $0x10, s3;
	v5 =	vld [tilespmem:s2+$0x0];
	v9 =	vadd.f32 v21, v9;
	v20 =	vmul.f32 v22, v7  }
0x41: {  	v21 =	vld [tilespmem:$0x2480];
	_ =	sdelay $0x4  }
0x42: {  	(v2sf) =	vpush v21, $0x0;
	_ =	sdelay $0x1  }
0x43: {  	(v2sf) =	vpush v21, $0x1;
	_ =	sdelay $0x1  }
0x44: {  	(v2sf) =	vpush v21, $0x2;
	_ =	sdelay $0x1  }
0x45: {  	(v2sf) =	vpush v21, $0x3;
	_ =	sdelay $0x1  }
0x46: {  	(v2sf) =	vpush v21, $0x4;
	_ =	sdelay $0x1  }
0x47: {  	(v2sf) =	vpush v21, $0x5;
	_ =	sdelay $0x1  }
0x48: {  	(v2sf) =	vpush v21, $0x6;
	_ =	sdelay $0x1  }
0x49: {  	(v2sf) =	vpush v21, $0x7  }
0x4a: {  	s6 =	spop (v2sf)  }
0x4b: {  	(v2sf) =	vpush v21, $0x8;
	s1 =	sadd.f32 $0.0e+00, s6  }
0x4c: {  	s2 =	spop (v2sf)  }
0x4d: {  	(v2sf) =	vpush v21, $0x9;
	s4 =	sadd.f32 s1, s2  }
0x4e: {  	s23 =	spop (v2sf)  }
0x4f: {  	(v2sf) =	vpush v21, $0xA;
	s2 =	sadd.f32 s4, s23  }
0x50: {  	s24 =	spop (v2sf)  }
0x51: {  	(v2sf) =	vpush v21, $0xB;
	s1 =	sadd.f32 s2, s24  }
0x52: {  	s3 =	spop (v2sf)  }
0x53: {  	(v2sf) =	vpush v21, $0xC;
	s9 =	sadd.f32 s1, s3  }
0x54: {  	s25 =	spop (v2sf)  }
0x55: {  	(v2sf) =	vpush v21, $0xD;
	s10 =	sadd.f32 s9, s25  }
0x56: {  	s26 =	spop (v2sf)  }
0x57: {  	v22 =	vld [tilespmem:$0x2490];
	s8 =	sadd.f32 s10, s26  }
0x58: {  	(v2sf) =	vpush v21, $0xE;
	s28 =	spop (v2sf)  }
0x59: {  	s15 =	sadd.f32 s8, s28  }
0x5a: {  	(v2sf) =	vpush v21, $0xF;
	s29 =	spop (v2sf)  }
0x5b: {  	s14 =	sadd.f32 s15, s29  }
0x5c: {  	(v2sf) =	vpush v22, $0x0;
	s30 =	spop (v2sf)  }
0x5d: {  	s13 =	sadd.f32 s14, s30  }
0x5e: {  	s31 =	spop (v2sf)  }
0x5f: {  	(v2sf) =	vpush v22, $0x1;
	s20 =	sadd.f32 s13, s31  }
0x60: {  	s5 =	spop (v2sf)  }
0x61: {  	s21 =	sadd.f32 s20, s5  }
0x62: {  	(v2sf) =	vpush v22, $0x2;
	s7 =	spop (v2sf)  }
0x63: {  	s18 =	sadd.f32 s21, s7  }
0x64: {  	s12 =	spop (v2sf)  }
0x65: {  	(v2sf) =	vpush v22, $0x3;
	s5 =	sadd.f32 s18, s12;
	_ =	sdelay $0x1  }
0x66: {  	s16 =	spop (v2sf);
	[smem:$0x7F0] =	sst s5  }
0x67: {  	(v2sf) =	vpush v22, $0x4;
	s5 =	sadd.f32 s5, s16  }
0x68: {  	s17 =	spop (v2sf)  }
0x69: {  	s7 =	sadd.f32 s5, s17  }
0x6a: {  	(v2sf) =	vpush v22, $0x5;
	s22 =	spop (v2sf);
	[smem:$0x7F1] =	sst s5  }
0x6b: {  	s5 =	sadd.f32 s7, s22;
	_ =	sdelay $0x1  }
0x6c: {  	(v2sf) =	vpush v22, $0x6;
	s23 =	spop (v2sf);
	[smem:$0x7F3] =	sst s5  }
0x6d: {  	s5 =	sadd.f32 s5, s23;
	_ =	sdelay $0x1  }
0x6e: {  	(v2sf) =	vpush v22, $0x7;
	s24 =	spop (v2sf);
	[smem:$0x7F4] =	sst s5  }
0x6f: {  	s5 =	sadd.f32 s5, s24;
	_ =	sdelay $0x1  }
0x70: {  	(v2sf) =	vpush v22, $0x8;
	s25 =	spop (v2sf);
	[smem:$0x7F5] =	sst s5  }
0x71: {  	s5 =	sadd.f32 s5, s25;
	_ =	sdelay $0x1  }
0x72: {  	(v2sf) =	vpush v22, $0x9;
	s26 =	spop (v2sf);
	[dreg:$0x1e] =	wrdreg s5  }
0x73: {  	s5 =	sadd.f32 s5, s26;
	_ =	sdelay $0x1  }
0x74: {  	(v2sf) =	vpush v22, $0xA;
	s28 =	spop (v2sf);
	[dreg:$0x1f] =	wrdreg s5  }
0x75: {  	s5 =	sadd.f32 s5, s28;
	_ =	sdelay $0x1  }
0x76: {  	(v2sf) =	vpush v22, $0xB;
	s29 =	spop (v2sf);
	[smem:$0x7F6] =	sst s5  }
0x77: {  	s5 =	sadd.f32 s5, s29;
	_ =	sdelay $0x1  }
0x78: {  	(v2sf) =	vpush v22, $0xC;
	s30 =	spop (v2sf);
	[dreg:$0x1b] =	wrdreg s5  }
0x79: {  	s5 =	sadd.f32 s5, s30;
	_ =	sdelay $0x1  }
0x7a: {  	(v2sf) =	vpush v22, $0xD;
	s31 =	spop (v2sf);
	[dreg:$0x1c] =	wrdreg s5  }
0x7b: {  	s5 =	sadd.f32 s5, s31  }
0x7c: {  	[smem:$0x7F2] =	sst s7  }
0x7d: {  	(v2sf) =	vpush v22, $0xE;
	s7 =	spop (v2sf);
	[dreg:$0x1a] =	wrdreg s5  }
0x7e: {  	v62 =	vld [tilespmem:$0x24A0];
	s5 =	sadd.f32 s5, s7;
	_ =	sdelay $0x1  }
0x7f: {  	(v2sf) =	vpush v22, $0xF;
	s12 =	spop (v2sf);
	[dreg:$0x16] =	wrdreg s5  }
0x80: {  	s5 =	sadd.f32 s5, s12;
	_ =	sdelay $0x1  }
0x81: {  	(v2sf) =	vpush v62, $0x0;
	s16 =	spop (v2sf);
	[dreg:$0x17] =	wrdreg s5  }
0x82: {  	s5 =	sadd.f32 s5, s16;
	_ =	sdelay $0x1  }
0x83: {  	(v2sf) =	vpush v62, $0x1;
	s17 =	spop (v2sf);
	[dreg:$0x15] =	wrdreg s5  }
0x84: {  	s5 =	sadd.f32 s5, s17;
	_ =	sdelay $0x1  }
0x85: {  	(v2sf) =	vpush v62, $0x2;
	s22 =	spop (v2sf);
	[dreg:$0x12] =	wrdreg s5  }
0x86: {  	s5 =	sadd.f32 s5, s22;
	_ =	sdelay $0x1  }
0x87: {  	(v2sf) =	vpush v62, $0x3;
	s23 =	spop (v2sf);
	[dreg:$0x13] =	wrdreg s5  }
0x88: {  	s5 =	sadd.f32 s5, s23;
	_ =	sdelay $0x1  }
0x89: {  	(v2sf) =	vpush v62, $0x4;
	s24 =	spop (v2sf);
	[dreg:$0x14] =	wrdreg s5  }
0x8a: {  	s5 =	sadd.f32 s5, s24;
	_ =	sdelay $0x1  }
0x8b: {  	(v2sf) =	vpush v62, $0x5;
	s25 =	spop (v2sf);
	[dreg:$0xe] =	wrdreg s5  }
0x8c: {  	s5 =	sadd.f32 s5, s25;
	_ =	sdelay $0x1  }
0x8d: {  	(v2sf) =	vpush v62, $0x6;
	s26 =	spop (v2sf);
	[dreg:$0xf] =	wrdreg s5  }
0x8e: {  	s5 =	sadd.f32 s5, s26;
	_ =	sdelay $0x1  }
0x8f: {  	(v2sf) =	vpush v62, $0x7;
	s28 =	spop (v2sf);
	[dreg:$0x10] =	wrdreg s5  }
0x90: {  	s5 =	sadd.f32 s5, s28;
	_ =	sdelay $0x1  }
0x91: {  	(v2sf) =	vpush v62, $0x8;
	s29 =	spop (v2sf);
	[dreg:$0xa] =	wrdreg s5  }
0x92: {  	s5 =	sadd.f32 s5, s29;
	_ =	sdelay $0x1  }
0x93: {  	(v2sf) =	vpush v62, $0x9;
	s30 =	spop (v2sf);
	[dreg:$0xb] =	wrdreg s5  }
0x94: {  	s5 =	sadd.f32 s5, s30;
	_ =	sdelay $0x1  }
0x95: {  	(v2sf) =	vpush v62, $0xA;
	s31 =	spop (v2sf);
	[dreg:$0xd] =	wrdreg s5  }
0x96: {  	s5 =	sadd.f32 s5, s31;
	_ =	sdelay $0x1  }
0x97: {  	(v2sf) =	vpush v62, $0xB;
	s7 =	spop (v2sf);
	[dreg:$0xc] =	wrdreg s5  }
0x98: {  	s5 =	sadd.f32 s5, s7  }
0x99: {  	(v2sf) =	vpush v62, $0xC  }
0x9a: {  	s12 =	spop (v2sf);
	[dreg:$0x11] =	wrdreg s5  }
0x9b: {  	s5 =	sadd.f32 s5, s12  }
0x9c: {  	(v2sf) =	vpush v62, $0xD  }
0x9d: {  	s16 =	spop (v2sf);
	[dreg:$0x18] =	wrdreg s5  }
0x9e: {  	s5 =	sadd.f32 s5, s16  }
0x9f: {  	(v2sf) =	vpush v62, $0xE  }
0xa0: {  	v24 =	vld [tilespmem:$0x24B0];
	s17 =	spop (v2sf);
	[dreg:$0x19] =	wrdreg s5  }
0xa1: {  	s5 =	sadd.f32 s5, s17  }
0xa2: {  	(v2sf) =	vpush v62, $0xF  }
0xa3: {  	s22 =	spop (v2sf);
	[dreg:$0x1d] =	wrdreg s5  }
0xa4: {  	s5 =	sadd.f32 s5, s22  }
0xa5: {  	(v2sf) =	vpush v24, $0x0  }
0xa6: {  	s23 =	spop (v2sf);
	[smem:$0x7F7] =	sst s5  }
0xa7: {  	(v2sf) =	vpush v24, $0x1;
	s5 =	sadd.f32 s5, s23  }
0xa8: {  	v63 =	vld [tilespmem:s0+$0x800];
	s24 =	spop (v2sf)  }
0xa9: {  	v23 =	vld [tilespmem:s0+$0xC00];
	(v2sf) =	vpush v24, $0x2;
	s3 =	sadd.f32 s5, s24  }
0xaa: {  	v25 =	vld [tilespmem:s0+$0x2000]  }
0xab: {  	v17 =	vmul.f32 v17, v7;
	v29 =	vld [tilespmem:s0+$0x1000];
	(v2sf) =	vpush v24, $0x3;
	s25 =	spop (v2sf);
	[smem:$0x7F9] =	sst s3  }
0xac: {  	v10 =	vadd.f32 v19, v10;
	v30 =	vld [tilespmem:s0+$0x1400];
	v14 =	vadd.f32 v20, v14;
	v16 =	vmul.f32 v16, v7;
	s3 =	sadd.f32 s3, s25  }
0xad: {  	v33 =	vld [tilespmem:s0+$0x1800];
	v15 =	vadd.f32 v17, v15;
	(v2sf) =	vpush v24, $0x4  }
0xae: {  	v39 =	vld [tilespmem:s0+$0x1C00];
	v7 =	vmul.f32 v11, v7;
	v12 =	vadd.f32 v16, v12;
	v18 =	vmul.f32 v18, v5;
	s26 =	spop (v2sf);
	[smem:$0x7FA] =	sst s3  }
0xaf: {  	v27 =	vmul.f32 v63, v5;
	v28 =	vmul.f32 v23, v5;
	(v2sf) =	vpush v24, $0x5;
	s3 =	sadd.f32 s3, s26  }
0xb0: {  	v7 =	vadd.f32 v7, v8;
	v19 =	vmul.f32 v25, v5;
	v35 =	vmul.f32 v29, v5  }
0xb1: {  	v17 =	vmul.f32 v30, v5;
	v18 =	vadd.f32 v18, v13;
	(v2sf) =	vpush v24, $0x6;
	s28 =	spop (v2sf);
	[smem:$0x7FB] =	sst s3  }
0xb2: {  	v40 =	vmul.f32 v33, v5;
	v9 =	vadd.f32 v27, v9;
	v10 =	vadd.f32 v28, v10;
	s3 =	sadd.f32 s3, s28  }
0xb3: {  	v5 =	vmul.f32 v39, v5;
	v6 =	vadd.f32 v19, v6;
	(v2sf) =	vpush v24, $0x7  }
0xb4: {  	v15 =	vadd.f32 v17, v15;
	v12 =	vadd.f32 v40, v12;
	v34 =	vperm.xlane v10, v0;
	s29 =	spop (v2sf);
	[smem:$0x7FC] =	sst s3  }
0xb5: {  	v5 =	vadd.f32 v5, v7;
	v26 =	vperm.xlane v18, v0;
	(v2sf) =	vpush v24, $0x8;
	s3 =	sadd.f32 s3, s29  }
0xb6: {  	v32 =	vperm.xlane v9, v0;
	v48 =	vperm.xlane v12, v0;
	v10 =	vadd.f32 v34, v10;
	s30 =	spop (v2sf)  }
0xb7: {  	v49 =	vperm.xlane v5, v0;
	v18 =	vadd.f32 v26, v18;
	(v2sf) =	vpush v24, $0x9;
	s16 =	sadd.f32 s3, s30  }
0xb8: {  	v8 =	vadd.f32 v32, v9;
	v9 =	vadd.f32 v35, v14;
	v38 =	vperm.xlane v10, v1;
	s31 =	spop (v2sf)  }
0xb9: {  	v12 =	vadd.f32 v48, v12;
	(v2sf) =	vpush v24, $0xA;
	s12 =	sadd.f32 s16, s31  }
0xba: {  	v50 =	vperm.xlane v6, v0;
	v5 =	vadd.f32 v49, v5;
	v10 =	vadd.f32 v38, v10;
	[smem:$0x7FD] =	sst s3;
	s3 =	spop (v2sf)  }
0xbb: {  	v31 =	vperm.xlane v18, v1;
	v37 =	vperm.xlane v8, v1;
	(v2sf) =	vpush v24, $0xB;
	s7 =	sadd.f32 s12, s3  }
0xbc: {  	v6 =	vadd.f32 v50, v6;
	v45 =	vperm.xlane v9, v0;
	v44 =	vperm.xlane v10, v2;
	[smem:$0x7F8] =	sst s5;
	s5 =	spop (v2sf)  }
0xbd: {  	v51 =	vperm.xlane v12, v1;
	v16 =	vadd.f32 v31, v18;
	(v2sf) =	vpush v24, $0xC;
	s5 =	sadd.f32 s7, s5  }
0xbe: {  	v53 =	vperm.xlane v5, v1;
	v8 =	vadd.f32 v37, v8;
	v10 =	vadd.f32 v44, v10;
	s17 =	spop (v2sf)  }
0xbf: {  	v47 =	vperm.xlane v15, v0;
	v9 =	vadd.f32 v45, v9;
	(v2sf) =	vpush v24, $0xD;
	s3 =	sadd.f32 s5, s17  }
0xc0: {  	v55 =	vld [tilespmem:$0x2500];
	v12 =	vadd.f32 v51, v12;
	v5 =	vadd.f32 v53, v5;
	v7 =	vperm.xlane v10, v3;
	s22 =	spop (v2sf)  }
0xc1: {  	v36 =	vperm.xlane v16, v2;
	v43 =	vperm.xlane v8, v2;
	(v2sf) =	vpush v24, $0xE;
	s0 =	sadd.f32 s3, s22  }
0xc2: {  	v46 =	vperm.xlane v9, v1;
	v7 =	vadd.f32 v7, v10;
	v10 =	vadd.f32 v47, v15;
	s17 =	spop (v2sf)  }
0xc3: {  	v17 =	vperm.xlane v12, v2;
	v11 =	vadd.f32 v36, v16;
	(v2sf) =	vpush v24, $0xF;
	s17 =	sadd.f32 s0, s17  }
0xc4: {  	v41 =	vld [tilespmem:$0x2400];
	v56 =	vperm.xlane v5, v2;
	v9 =	vadd.f32 v46, v9;
	v15 =	vperm.xlane v10, v1;
	s22 =	spop (v2sf)  }
0xc5: {  	v8 =	vadd.f32 v43, v8;
	v42 =	vperm.xlane v11, v3;
	(v2sf) =	vpush v55, $0x0;
	s29 =	sadd.f32 s17, s22  }
0xc6: {  	v12 =	vadd.f32 v17, v12;
	v16 =	vperm.xlane v9, v2;
	v10 =	vadd.f32 v15, v10;
	s23 =	spop (v2sf)  }
0xc7: {  	v5 =	vadd.f32 v56, v5;
	v14 =	vperm.xlane v8, v3;
	v11 =	vadd.f32 v42, v11;
	s30 =	sadd.f32 s29, s23  }
0xc8: {  	v9 =	vadd.f32 v16, v9;
	v16 =	vperm.xlane v6, v1;
	v54 =	vperm.xlane v10, v2;
	s24 =	spop (v2sf)  }
0xc9: {  	v8 =	vadd.f32 v14, v8;
	v11 =	vadd.f32 v11, v41;
	s31 =	sadd.f32 s30, s24  }
0xca: {  	v6 =	vadd.f32 v16, v6;
	v10 =	vadd.f32 v54, v10;
	s25 =	spop (v2sf)  }
0xcb: {  	v17 =	vperm.xlane v12, v3;
	v8 =	vadd.f32 v8, v41;
	v52 =	vperm.xlane v9, v3;
	s28 =	sadd.f32 s31, s25  }
0xcc: {  	v11 =	vsel vm0, v11, v41;
	v16 =	vperm.xlane v6, v2;
	v57 =	vperm.xlane v10, v3;
	s26 =	spop (v2sf)  }
0xcd: {  	v60 =	vperm.xlane v5, v3;
	v7 =	vadd.f32 v7, v11;
	v9 =	vadd.f32 v52, v9;
	s24 =	sadd.f32 s28, s26  }
0xce: {  	v8 =	vsel vm1, v11, v8;
	v6 =	vadd.f32 v16, v6;
	v58 =	vadd.f32 v57, v10;
	s23 =	spop (v2sf)  }
0xcf: {  	v59 =	vadd.f32 v17, v12;
	v9 =	vadd.f32 v9, v8;
	v7 =	vsel vm2, v8, v7;
	s26 =	sadd.f32 s24, s23  }
0xd0: {  	v61 =	vperm.xlane v6, v3;
	v8 =	vadd.f32 v58, v7;
	s25 =	spop (v2sf)  }
0xd1: {  	v5 =	vadd.f32 v60, v5;
	v9 =	vsel vm3, v7, v9;
	v7 =	vadd.f32 v59, v7;
	s25 =	sadd.f32 s26, s25  }
0xd2: {  	v6 =	vadd.f32 v61, v6;
	v8 =	vsel vm4, v9, v8;
	s23 =	spop (v2sf)  }
0xd3: {  	v7 =	vsel vm5, v8, v7;
	v5 =	vadd.f32 v5, v8;
	s22 =	sadd.f32 s25, s23  }
0xd4: {  	v6 =	vadd.f32 v6, v7;
	s23 =	spop (v2sf)  }
0xd5: {  	v5 =	vsel vm6, v7, v5;
	s23 =	smul.f32 s22, s23  }
0xd6: {  	v5 =	vsel vm7, v5, v6  }
0xd7: {  	v5 =	vnsel vm8, $0xF149F2CA, v5;
	p0 =	slt.f32 s6, s23;
	p1 =	slt.f32 s4, s23  }
0xd8: {  	v6 =	vperm.xlane v5, v0;
	p2 =	slt.f32 s2, s23;
	p3 =	slt.f32 s1, s23  }
0xd9: {  	s1 =	simm.s32 $0x1;
	s2 =	simm.s32 $0x1;
	s6 =	sld [smem:$0x7F5]  }
0xda: {  	v6 =	vmax.f32 v5, v6;
	s4 =	simm.s32 $0x1;
	p6 =	slt.f32 s30, s23;
	p5 =	slt.f32 s31, s23  }
0xdb: {  	v7 =	vperm.xlane v6, v1;
	p4 =	slt.f32 s26, s23;
	s1 =	simm.s32 @!p0 $0x0;
	p0 =	slt.f32 s9, s23  }
0xdc: {  	s4 =	simm.s32 @!p2 $0x0;
	p2 =	slt.f32 s8, s23;
	s8 =	rddreg [dreg:$0x1e]  }
0xdd: {  	v6 =	vmax.f32 v6, v7;
	s2 =	simm.s32 @!p1 $0x0;
	p1 =	slt.f32 s10, s23;
	s9 =	rddreg [dreg:$0x1f]  }
0xde: {  	v7 =	vperm.xlane v6, v2;
	s10 =	sld [smem:$0x7F6];
	s1 =	sadd.s32 s2, s1;
	s2 =	simm.s32 $0x1  }
0xdf: {  	s1 =	sadd.s32 s4, s1;
	s2 =	simm.s32 @!p3 $0x0;
	s4 =	simm.s32 $0x1  }
0xe0: {  	v6 =	vmax.f32 v6, v7;
	p3 =	slt.f32 s17, s23;
	s1 =	sadd.s32 s2, s1;
	s2 =	simm.s32 $0x1  }
0xe1: {  	v7 =	vperm.xlane v6, v3;
	s4 =	simm.s32 @!p1 $0x0;
	p1 =	slt.f32 s14, s23;
	s2 =	simm.s32 @!p0 $0x0  }
0xe2: {  	s14 =	rddreg [dreg:$0x1c];
	p0 =	slt.f32 s15, s23;
	s1 =	sadd.s32 s2, s1  }
0xe3: {  	v6 =	vmax.f32 v6, v7;
	s15 =	sld [smem:$0x7F0];
	s2 =	simm.s32 $0x1;
	s1 =	sadd.s32 s4, s1  }
0xe4: {  	v5 =	vsub.f32 v5, v6;
	s2 =	simm.s32 @!p2 $0x0;
	p2 =	slt.f32 s13, s23;
	s4 =	simm.s32 $0x1  }
0xe5: {  	s13 =	rddreg [dreg:$0x1b];
	s1 =	sadd.s32 s2, s1;
	s2 =	simm.s32 $0x1  }
0xe6: {  	v5 =	vmul.f32 $1.442695020e+00, v5;
	s4 =	simm.s32 @!p1 $0x0;
	p1 =	slt.f32 s21, s23;
	s2 =	simm.s32 @!p0 $0x0  }
0xe7: {  	s21 =	sld [smem:$0x7F3];
	p0 =	slt.f32 s20, s23;
	s1 =	sadd.s32 s2, s1  }
0xe8: {  	(erf) = vpow2.f32 v5;
	s20 =	sld [smem:$0x7F2];
	s2 =	simm.s32 $0x1;
	s1 =	sadd.s32 s4, s1  }
0xe9: {  	s2 =	simm.s32 @!p2 $0x0;
	p2 =	slt.f32 s18, s23;
	s4 =	simm.s32 $0x1  }
0xea: {  	s18 =	sld [smem:$0x7F1];
	s1 =	sadd.s32 s2, s1;
	s2 =	simm.s32 $0x1  }
0xeb: {  	s4 =	simm.s32 @!p1 $0x0;
	s2 =	simm.s32 @!p0 $0x0;
	p0 =	slt.f32 s15, s23  }
0xec: {  	s15 =	rddreg [dreg:$0x1a];
	s1 =	sadd.s32 s2, s1;
	s2 =	simm.s32 $0x1  }
0xed: {  	p1 =	slt.f32 s18, s23;
	s18 =	rddreg [dreg:$0x16];
	s1 =	sadd.s32 s4, s1  }
0xee: {  	s2 =	simm.s32 @!p2 $0x0;
	p2 =	slt.f32 s20, s23;
	s4 =	simm.s32 $0x1  }
0xef: {  	s20 =	rddreg [dreg:$0x17];
	s1 =	sadd.s32 s2, s1;
	s2 =	simm.s32 $0x1  }
0xf0: {  	s4 =	simm.s32 @!p1 $0x0;
	s2 =	simm.s32 @!p0 $0x0;
	p0 =	slt.f32 s21, s23  }
0xf1: {  	v5 =	vpop (erf);
	s21 =	rddreg [dreg:$0x15];
	s1 =	sadd.s32 s2, s1;
	s2 =	simm.s32 $0x1  }
0xf2: {  	v5 =	vnsel vm8, $0x0, v5;
	s1 =	sadd.s32 s4, s1;
	s2 =	simm.s32 @!p2 $0x0;
	s4 =	sld [smem:$0x7F4]  }
0xf3: {  	v6 =	vperm.xlane v5, v0;
	p2 =	slt.f32 s6, s23;
	s1 =	sadd.s32 s2, s1;
	s2 =	simm.s32 $0x1  }
0xf4: {  	s6 =	rddreg [dreg:$0x12];
	s2 =	simm.s32 @!p0 $0x0;
	p0 =	slt.f32 s8, s23  }
0xf5: {  	v6 =	vadd.f32 v5, v6;
	s8 =	rddreg [dreg:$0x13];
	p1 =	slt.f32 s4, s23  }
0xf6: {  	s4 =	simm.s32 $0x1;
	s1 =	sadd.s32 s2, s1;
	s2 =	simm.s32 $0x1  }
0xf7: {  	v7 =	vperm.xlane v6, v1;
	s2 =	simm.s32 @!p2 $0x0;
	p2 =	slt.f32 s10, s23;
	s4 =	simm.s32 @!p1 $0x0  }
0xf8: {  	s10 =	rddreg [dreg:$0xe];
	p1 =	slt.f32 s9, s23;
	s1 =	sadd.s32 s4, s1  }
0xf9: {  	v6 =	vadd.f32 v6, v7;
	s9 =	rddreg [dreg:$0x14];
	s4 =	simm.s32 $0x1;
	s1 =	sadd.s32 s2, s1  }
0xfa: {  	s2 =	simm.s32 $0x1;
	s4 =	simm.s32 @!p1 $0x0;
	p1 =	slt.f32 s14, s23  }
0xfb: {  	v7 =	vperm.xlane v6, v2;
	s14 =	rddreg [dreg:$0x10];
	s2 =	simm.s32 @!p0 $0x0;
	p0 =	slt.f32 s13, s23  }
0xfc: {  	s13 =	rddreg [dreg:$0xf];
	s1 =	sadd.s32 s2, s1;
	s2 =	simm.s32 $0x1  }
0xfd: {  	v6 =	vadd.f32 v6, v7;
	s1 =	sadd.s32 s4, s1;
	s2 =	simm.s32 @!p2 $0x0;
	p2 =	slt.f32 s15, s23  }
0xfe: {  	s4 =	simm.s32 $0x1;
	s15 =	rddreg [dreg:$0xa];
	s1 =	sadd.s32 s2, s1  }
0xff: {  	v7 =	vperm.xlane v6, v3;
	s2 =	simm.s32 $0x1;
	s4 =	simm.s32 @!p1 $0x0;
	p1 =	slt.f32 s20, s23  }
0x100: {  	s20 =	rddreg [dreg:$0xd];
	s2 =	simm.s32 @!p0 $0x0;
	p0 =	slt.f32 s18, s23  }
0x101: {  	v6 =	vadd.f32 v6, v7;
	s18 =	rddreg [dreg:$0xb];
	s1 =	sadd.s32 s2, s1;
	s2 =	simm.s32 $0x1  }
0x102: {  	s1 =	sadd.s32 s4, s1;
	s2 =	simm.s32 @!p2 $0x0;
	p2 =	slt.f32 s21, s23  }
0x103: {  	(erf) = vrcp.f32 v6;
	s4 =	simm.s32 $0x1;
	s21 =	rddreg [dreg:$0xc];
	s1 =	sadd.s32 s2, s1  }
0x104: {  	s2 =	simm.s32 $0x1;
	s4 =	simm.s32 @!p1 $0x0;
	p1 =	slt.f32 s8, s23  }
0x105: {  	s8 =	rddreg [dreg:$0x19];
	s2 =	simm.s32 @!p0 $0x0;
	p0 =	slt.f32 s6, s23  }
0x106: {  	s6 =	rddreg [dreg:$0x18];
	s1 =	sadd.s32 s2, s1;
	s2 =	simm.s32 $0x1  }
0x107: {  	s1 =	sadd.s32 s4, s1;
	s2 =	simm.s32 @!p2 $0x0;
	p2 =	slt.f32 s9, s23  }
0x108: {  	s4 =	simm.s32 $0x1;
	s9 =	rddreg [dreg:$0x1d];
	s1 =	sadd.s32 s2, s1  }
0x109: {  	s2 =	simm.s32 $0x1;
	s4 =	simm.s32 @!p1 $0x0;
	p1 =	slt.f32 s13, s23  }
0x10a: {  	s13 =	sld [smem:$0x7F8];
	s2 =	simm.s32 @!p0 $0x0;
	p0 =	slt.f32 s10, s23  }
0x10b: {  	s10 =	sld [smem:$0x7F7];
	s1 =	sadd.s32 s2, s1;
	s2 =	simm.s32 $0x1  }
0x10c: {  	v6 =	vpop (erf);
	s1 =	sadd.s32 s4, s1;
	s2 =	simm.s32 @!p2 $0x0;
	p2 =	slt.f32 s14, s23  }
0x10d: {  	v5 =	vmul.f32 v6, v5;
	s4 =	simm.s32 $0x1;
	s14 =	sld [smem:$0x7F9];
	s1 =	sadd.s32 s2, s1  }
0x10e: {  	s2 =	simm.s32 $0x1;
	s4 =	simm.s32 @!p1 $0x0;
	p1 =	slt.f32 s18, s23  }
0x10f: {  	v6 =	vperm.xlane v5, v0;
	s18 =	sld [smem:$0x7FB];
	s2 =	simm.s32 @!p0 $0x0;
	p0 =	slt.f32 s15, s23  }
0x110: {  	s15 =	sld [smem:$0x7FA];
	s1 =	sadd.s32 s2, s1;
	s2 =	simm.s32 $0x1  }
0x111: {  	v6 =	vmax.f32 v5, v6;
	s1 =	sadd.s32 s4, s1;
	s2 =	simm.s32 @!p2 $0x0;
	p2 =	slt.f32 s20, s23  }
0x112: {  	v7 =	vperm.xlane v6, v1;
	s4 =	simm.s32 $0x1;
	s1 =	sadd.s32 s2, s1;
	s2 =	simm.s32 $0x1  }
0x113: {  	s20 =	sld [smem:$0x7FC];
	s4 =	simm.s32 @!p1 $0x0;
	s2 =	simm.s32 @!p0 $0x0  }
0x114: {  	v6 =	vmax.f32 v6, v7;
	p0 =	slt.f32 s21, s23;
	s1 =	sadd.s32 s2, s1;
	s2 =	simm.s32 $0x1  }
0x115: {  	v7 =	vperm.xlane v6, v2;
	s21 =	sld [smem:$0x7FD];
	s1 =	sadd.s32 s4, s1;
	s2 =	simm.s32 @!p2 $0x0  }
0x116: {  	s4 =	rddreg [dreg:$0x11];
	s1 =	sadd.s32 s2, s1;
	s2 =	simm.s32 $0x1  }
0x117: {  	v6 =	vmax.f32 v6, v7;
	p2 =	slt.f32 s6, s23;
	p1 =	slt.f32 s4, s23;
	s2 =	simm.s32 @!p0 $0x0  }
0x118: {  	v7 =	vperm.xlane v6, v3;
	s4 =	simm.s32 $0x1;
	p0 =	slt.f32 s8, s23;
	s1 =	sadd.s32 s2, s1  }
0x119: {  	s4 =	simm.s32 @!p1 $0x0;
	s2 =	simm.s32 $0x1;
	p1 =	slt.f32 s9, s23  }
0x11a: {  	v6 =	vmax.f32 v6, v7;
	s1 =	sadd.s32 s4, s1;
	s2 =	simm.s32 @!p2 $0x0;
	s4 =	simm.s32 $0x1  }
0x11b: {  	vm9 =	veq.f32 v5, v6;
	p2 =	slt.f32 s0, s23;
	s1 =	sadd.s32 s2, s1;
	s2 =	simm.s32 $0x1  }
0x11c: {  	v7 =	vnsel vm9, $0x10, v4;
	s4 =	simm.s32 @!p1 $0x0;
	s2 =	simm.s32 @!p0 $0x0;
	p0 =	slt.f32 s10, s23  }
0x11d: {  	v62 =	vperm.xlane v7, v0;
	p1 =	slt.f32 s13, s23;
	s1 =	sadd.s32 s2, s1;
	s2 =	simm.s32 $0x1  }
0x11e: {  	s1 =	sadd.s32 s4, s1;
	s2 =	simm.s32 @!p0 $0x0;
	p0 =	slt.f32 s14, s23  }
0x11f: {  	vm9 =	vlt.s32 v7, v62;
	s4 =	simm.s32 $0x1;
	s1 =	sadd.s32 s2, s1;
	s2 =	simm.s32 $0x1  }
0x120: {  	v7 =	vsel vm9, v7, v62;
	s2 =	simm.s32 @!p1 $0x0;
	p1 =	slt.f32 s15, s23;
	s4 =	simm.s32 @!p0 $0x0  }
0x121: {  	v8 =	vperm.xlane v7, v1;
	p0 =	slt.f32 s18, s23;
	s1 =	sadd.s32 s2, s1;
	s2 =	simm.s32 $0x1  }
0x122: {  	s1 =	sadd.s32 s4, s1;
	s2 =	simm.s32 @!p1 $0x0;
	p1 =	slt.f32 s20, s23  }
0x123: {  	vm9 =	vlt.s32 v7, v8;
	s4 =	simm.s32 $0x1;
	s1 =	sadd.s32 s2, s1;
	s2 =	simm.s32 $0x1  }
0x124: {  	v7 =	vsel vm9, v7, v8;
	s2 =	simm.s32 @!p0 $0x0;
	p0 =	slt.f32 s21, s23;
	s4 =	simm.s32 @!p1 $0x0  }
0x125: {  	v8 =	vperm.xlane v7, v2;
	p1 =	slt.f32 s16, s23;
	s1 =	sadd.s32 s2, s1;
	s2 =	simm.s32 $0x1  }
0x126: {  	s1 =	sadd.s32 s4, s1;
	s2 =	simm.s32 @!p0 $0x0;
	p0 =	slt.f32 s12, s23  }
0x127: {  	vm9 =	vlt.s32 v7, v8;
	s4 =	simm.s32 $0x1;
	s1 =	sadd.s32 s2, s1;
	s2 =	simm.s32 $0x1  }
0x128: {  	v7 =	vsel vm9, v7, v8;
	s2 =	simm.s32 @!p1 $0x0;
	p1 =	slt.f32 s7, s23;
	s4 =	simm.s32 @!p0 $0x0  }
0x129: {  	v8 =	vperm.xlane v7, v3;
	p0 =	slt.f32 s5, s23;
	s1 =	sadd.s32 s2, s1;
	s2 =	simm.s32 $0x1  }
0x12a: {  	s1 =	sadd.s32 s4, s1;
	s2 =	simm.s32 @!p1 $0x0;
	p1 =	slt.f32 s3, s23  }
0x12b: {  	vm9 =	vlt.s32 v7, v8;
	s0 =	simm.s32 $0x1;
	s1 =	sadd.s32 s2, s1;
	s2 =	simm.s32 $0x1  }
0x12c: {  	v7 =	vsel vm9, v7, v8;
	s3 =	simm.s32 $0x1;
	s2 =	simm.s32 @!p0 $0x0;
	s0 =	simm.s32 @!p1 $0x0  }
0x12d: {  	vm9 =	veq.s32 v7, v4;
	p0 =	slt.f32 s29, s23;
	p1 =	slt.f32 s28, s23;
	s1 =	sadd.s32 s2, s1  }
0x12e: {  	v5 =	vsel vm9, $0xF149F2CA, v5;
	s2 =	simm.s32 $0x1;
	s0 =	sadd.s32 s0, s1;
	s1 =	simm.s32 $0x1  }
0x12f: {  	v7 =	vperm.xlane v5, v0;
	s2 =	simm.s32 @!p3 $0x0;
	p3 =	slt.f32 s25, s23;
	s1 =	simm.s32 @!p2 $0x0  }
0x130: {  	s3 =	simm.s32 @!p0 $0x0;
	p0 =	slt.f32 s22, s23;
	s0 =	sadd.s32 s1, s0  }
0x131: {  	v5 =	vmax.f32 v5, v7;
	p2 =	slt.f32 s24, s23;
	s1 =	simm.s32 $0x1;
	s0 =	sadd.s32 s2, s0  }
0x132: {  	v7 =	vperm.xlane v5, v1;
	s1 =	simm.s32 @!p6 $0x0;
	s2 =	simm.s32 $0x1;
	s0 =	sadd.s32 s3, s0  }
0x133: {  	s2 =	simm.s32 @!p5 $0x0;
	s0 =	sadd.s32 s1, s0;
	s1 =	simm.s32 $0x1  }
0x134: {  	v5 =	vmax.f32 v5, v7;
	s1 =	simm.s32 @!p1 $0x0;
	s0 =	sadd.s32 s2, s0;
	s2 =	simm.s32 $0x1  }
0x135: {  	v7 =	vperm.xlane v5, v2;
	s2 =	simm.s32 @!p2 $0x0;
	s0 =	sadd.s32 s1, s0;
	s1 =	simm.s32 $0x1  }
0x136: {  	s1 =	simm.s32 @!p4 $0x0;
	s0 =	sadd.s32 s2, s0;
	s2 =	simm.s32 $0x1  }
0x137: {  	v5 =	vmax.f32 v5, v7;
	s2 =	simm.s32 @!p3 $0x0;
	s0 =	sadd.s32 s1, s0;
	s1 =	simm.s32 $0x1  }
0x138: {  	v7 =	vperm.xlane v5, v3;
	s0 =	sadd.s32 s2, s0;
	s1 =	simm.s32 @!p0 $0x0  }
0x139: {  	s0 =	sadd.s32 s1, s0  }
0x13a: {  	v5 =	vmax.f32 v5, v7;
	s1 =	sand.u32 $0x7, s0  }
0x13b: {  	vm9 =	veq.s32 v4, $0x0;
	v5 =	vsel vm0, v6, v5;
	s0 =	sshrl.u32 s0, $0x3;
	v63 =	vmov s1  }
0x13c: {  	[tilespmem:$0x2600] =	vst v5;
	v8 =	vsel vm9, s0, v63  }
0x13d: {  	s26 =	rddreg [dreg:$0x7];
	s28 =	simm.s32 $0x2580;
	s2 =	simm.s32 $0x0;
	[tilespmem:$0x2580] =	vst v8  }
0x13e: {  	[hbm4b:s26+s2] =	stream.linear.scatter [tilespmem:s28], [sflag:$0x1], $0x80, $0x38;
	[tilespmem:$0x2680] =	vst v63  }
0x13f: {  	_ =	swait.ge [sflag:s11], $0x80  }
0x140: {  	[sflag:s11] =	ssyncset.done $0x0  }
0x141: {  	s30 =	simm.s32 $0x2600;
	s29 =	rddreg [dreg:$0x8];
	[sflag:s11] =	ssyncadd.s32 $0xFFFFFF80  }
0x142: {  	[hbm4b:s29+s2] =	stream.linear.scatter [tilespmem:s30], [sflag:$0x1], $0x80, $0x38;
	[tilespmem:$0x2680] =	vst v63  }
0x143: {  	_ =	swait.ge [sflag:s11], $0x80  }
0x144: {  	s19 =	sadd.s32 $0x1, s19;
	s31 =	rddreg [dreg:$0x9]  }
0x145: {  	p0 =	sne.s32 s19, s31  }
.Ltmp2:
0x146: {  	_ = 	snop;
	(pc) =	sbr.rel @p0 .LBB2_2-.Ltmp2, $3  }
0x147: {  	_ =	sdelay $0x1  }
0x148: {  	[sflag:s11] =	ssyncset.done $0x0  }
0x149: {  	[sflag:s11] =	ssyncadd.s32 $0xFFFFFF80  }
.LBB2_5:
0x14a: {  	_ =	sfence.sel $0x180000  }
0x14b: {  	[bflag:$0x0] =	sbarrier.arrive $0xFFFF  }
0x14c: {  	_ =	strace $0x90000047  }
0x14d: {  	s0 =	stileid.u32;
	[bflag:$0x2] =	sbarrier.arrive $0xFFFF  }
0x14e: {  	p0 =	sne.s32 s0, $0x0;
	s0 =	rddreg [dreg:$0x3]  }
0x14f: {  	s0 =	sadd.s32 @!p0 $0x100000, s0  }
0x150: {  	[sflag:s0] =	ssyncadd.tile.s32 @!p0 $0x1;
	_ =	shalt  }
.Lfunc_end2:
_tile_overlayer_lowered:
.L_overlay_start_2:
0x151: {  	(tag) =	ssettag $0x2  }
0x152: {  	s0 =	rddreg [dreg:$0x0];
	s2 =	stileid.u32  }
0x153: {  	s1 =	rddreg [dreg:$0x1];
	p0 =	sne.s32 s2, $0x0  }
0x154: {  	s3 =	rddreg [dreg:$0x2];
	[bflag:$0x3] =	sbarrier.arrive $0xFFFF;
	s2 =	simm.s32 @!p0 $0x1C01  }
0x155: {  	[timem:s3], [sflag:s2] =	dma.local @!p0 [hbm:s0], s1  }
0x156: {  	s0 =	simm.s32 @!p0 $0x1  }
0x157: {  	_ =	swait.ge @!p0 [sflag:s0], s1  }
0x158: {  	s1 =	ssub.s32 @!p0 $0x0, s1;
	[sflag:s0] =	ssyncset.done @!p0 $0x0  }
0x159: {  	[sflag:s0] =	ssyncadd.s32 @!p0 s1  }
0x15a: {  	[bflag:$0x3] =	sbarrier.arrive $0xFFFF  }
0x15b: {  	_ =	shalt  }

</sc_bundles>
